<compile_context>
chip_gen: v7x
topology: tpu7x:2x2x1
jax: 0.10.2.dev20260603
libtpu: 0.0.44.dev20260713+nightly
codegen_flags: <defaults>
</compile_context>

<pallas_src>
import functools

import jax
import jax.numpy as jnp
from jax import lax
from jax.experimental import pallas as pl
from jax.experimental.pallas import tpu as pltpu
from jax.experimental.pallas import tpu_sc as plsc

N_NODES = 10000
N_EDGES = 320000
IN_CH = 128
OUT_CH = 48
HID = 2 * OUT_CH

CHUNK = 128
N_CHUNKS = N_EDGES // CHUNK
NC = 2
NS = 16
N_PAD = 10240
ROWS_PER_SUB = N_PAD // NS
CW = 128
PIECE = 64
N_PIECES = ROWS_PER_SUB // PIECE
NJ = HID // 16
DCOL = HID
CHUNKS_PER_SUB = N_CHUNKS // NS
CHUNKS_SUB_REM = N_CHUNKS - CHUNKS_PER_SUB * NS

_mesh = plsc.VectorSubcoreMesh(core_axis_name="c", subcore_axis_name="s")


def _rsqrt16(d):
    i = lax.bitcast_convert_type(d, jnp.int32)
    i = jnp.int32(0x5F3759DF) - lax.shift_right_arithmetic(i, 1)
    y = lax.bitcast_convert_type(i, jnp.float32)
    for _ in range(3):
        y = y * (1.5 - 0.5 * d * y * y)
    return y


@functools.partial(
    pl.kernel,
    out_type=(
        jax.ShapeDtypeStruct((N_PAD, CW), jnp.float32),
        jax.ShapeDtypeStruct((NC * N_PAD, CW), jnp.float32),
    ),
    mesh=_mesh,
    scratch_types=[
        pltpu.VMEM((CHUNK,), jnp.int32),
        pltpu.VMEM((CHUNK,), jnp.int32),
        pltpu.VMEM((CHUNK, CW), jnp.float32),
        pltpu.VMEM((PIECE, CW), jnp.float32),
        pltpu.VMEM((PIECE, CW), jnp.float32),
        pltpu.VMEM((CW,), jnp.float32),
        pltpu.VMEM((PIECE, CW), jnp.float32),
        pltpu.VMEM_SHARED((N_PAD, CW), jnp.float32),
        pltpu.SemaphoreType.DMA,
    ],
)
def _gcn_sc_kernel(h1_hbm, src_hbm, dst_hbm, b1_hbm, g_hbm, ptab_hbm,
                   src_v, dst_v, rows_v, a_v, b_v, bias_v, zero_v,
                   acc_sh, sem):
    cid = lax.axis_index("c")
    sid = lax.axis_index("s")
    base = sid * ROWS_PER_SUB
    roff = cid * N_PAD
    zrow = jnp.zeros((16,), jnp.float32)
    onerow = jnp.ones((16,), jnp.float32)

    extra = jnp.minimum(sid, CHUNKS_SUB_REM)
    cstart = sid * CHUNKS_PER_SUB + extra
    cnum = CHUNKS_PER_SUB + jnp.where(sid < CHUNKS_SUB_REM, 1, 0)

    def fill_body(r, carry):
        for j in range(CW // 16):
            rows_v[r, pl.ds(j * 16, 16)] = onerow
        return carry

    lax.fori_loop(0, CHUNK, fill_body, 0)

    def zfill_body(r, carry):
        for j in range(CW // 16):
            zero_v[r, pl.ds(j * 16, 16)] = zrow
        return carry

    lax.fori_loop(0, PIECE, zfill_body, 0)

    def zero_slab(k, carry):
        pltpu.sync_copy(zero_v, acc_sh.at[pl.ds(base + k * PIECE, PIECE)])
        return carry

    lax.fori_loop(0, N_PIECES, zero_slab, 0)
    pltpu.sync_copy(b1_hbm, bias_v)
    plsc.subcore_barrier()

    def hist_body(i, carry):
        pltpu.sync_copy(dst_hbm.at[cstart + i], dst_v)
        pltpu.sync_copy(rows_v, acc_sh.at[dst_v], add=True)
        return carry

    lax.fori_loop(0, cnum, hist_body, 0)
    plsc.subcore_barrier()

    def p1_piece(k, carry):
        pltpu.sync_copy(h1_hbm.at[pl.ds(base + k * PIECE, PIECE)], a_v)
        pltpu.sync_copy(acc_sh.at[pl.ds(base + k * PIECE, PIECE)], b_v)

        def p1_row(r, c2):
            y = _rsqrt16(b_v[r, pl.ds(0, 16)] + 1.0)
            for j in range(NJ):
                a_v[r, pl.ds(j * 16, 16)] = a_v[r, pl.ds(j * 16, 16)] * y
            a_v[r, pl.ds(DCOL, 16)] = y
            return c2

        lax.fori_loop(0, PIECE, p1_row, 0)
        pltpu.sync_copy(a_v, ptab_hbm.at[pl.ds(roff + base + k * PIECE, PIECE)])
        pltpu.sync_copy(zero_v, acc_sh.at[pl.ds(base + k * PIECE, PIECE)])
        return carry

    lax.fori_loop(0, N_PIECES, p1_piece, 0)
    plsc.subcore_barrier()

    def agg_body(i, carry):
        pltpu.sync_copy(src_hbm.at[cstart + i], src_v)
        pltpu.sync_copy(dst_hbm.at[cstart + i], dst_v)

        def adj(t, c2):
            src_v[pl.ds(t * 16, 16)] = src_v[pl.ds(t * 16, 16)] + roff
            return c2

        lax.fori_loop(0, CHUNK // 16, adj, 0)
        pltpu.async_copy(ptab_hbm.at[src_v], rows_v, sem).wait()
        pltpu.sync_copy(rows_v, acc_sh.at[dst_v], add=True)
        return carry

    lax.fori_loop(0, cnum, agg_body, 0)
    plsc.subcore_barrier()

    def mid_piece(k, carry):
        pltpu.sync_copy(acc_sh.at[pl.ds(base + k * PIECE, PIECE)], a_v)
        pltpu.sync_copy(ptab_hbm.at[pl.ds(roff + base + k * PIECE, PIECE)], b_v)

        def mid_row(r, c2):
            y = b_v[r, pl.ds(DCOL, 16)]
            for j in range(NJ):
                s = a_v[r, pl.ds(j * 16, 16)] + b_v[r, pl.ds(j * 16, 16)]
                h = jnp.maximum(s * y + bias_v[pl.ds(j * 16, 16)], 0.0)
                b_v[r, pl.ds(j * 16, 16)] = h * y
            return c2

        lax.fori_loop(0, PIECE, mid_row, 0)
        pltpu.sync_copy(b_v, ptab_hbm.at[pl.ds(roff + base + k * PIECE, PIECE)])
        pltpu.sync_copy(zero_v, acc_sh.at[pl.ds(base + k * PIECE, PIECE)])
        return carry

    lax.fori_loop(0, N_PIECES, mid_piece, 0)
    plsc.subcore_barrier()

    lax.fori_loop(0, cnum, agg_body, 0)
    plsc.subcore_barrier()

    @pl.when(cid == 0)
    def _():
        def out_piece(k, carry):
            pltpu.sync_copy(acc_sh.at[pl.ds(base + k * PIECE, PIECE)], a_v)
            pltpu.sync_copy(
                ptab_hbm.at[pl.ds(roff + base + k * PIECE, PIECE)], b_v)

            def out_row(r, c2):
                y = b_v[r, pl.ds(DCOL, 16)]
                for j in range(NJ):
                    s = a_v[r, pl.ds(j * 16, 16)] + b_v[r, pl.ds(j * 16, 16)]
                    a_v[r, pl.ds(j * 16, 16)] = s * y
                return c2

            lax.fori_loop(0, PIECE, out_row, 0)
            pltpu.sync_copy(a_v, g_hbm.at[pl.ds(base + k * PIECE, PIECE)])
            return carry

        lax.fori_loop(0, N_PIECES, out_piece, 0)


def _tc_pre(x_ref, w1_ref, h1_ref):
    h1 = jnp.dot(x_ref[...], w1_ref[...], preferred_element_type=jnp.float32)
    h1_ref[:N_NODES, :] = h1
    h1_ref[N_NODES:, :] = jnp.zeros((N_PAD - N_NODES, CW), jnp.float32)


def _tc_post(g_ref, wcat_ref, bcat_ref, out_ref):
    g = g_ref[:N_NODES, :]
    out_ref[...] = (
        jnp.dot(g, wcat_ref[...], preferred_element_type=jnp.float32)
        + bcat_ref[...]
    )


def kernel(x, edge_index, W1, b1, Wmu, bmu, Wls, bls):
    ei = edge_index.astype(jnp.int32)
    src = ei[0].reshape(N_CHUNKS, CHUNK)
    dst = ei[1].reshape(N_CHUNKS, CHUNK)

    w1p = jnp.pad(W1, ((0, 0), (0, CW - HID)))
    h1 = pl.pallas_call(
        _tc_pre,
        out_shape=jax.ShapeDtypeStruct((N_PAD, CW), jnp.float32),
    )(x, w1p)

    b1p = jnp.pad(b1, (0, CW - HID))
    g, _ = _gcn_sc_kernel(h1, src, dst, b1p)

    wcat = jnp.pad(jnp.concatenate([Wmu, Wls], axis=1), ((0, CW - HID), (0, 0)))
    bcat = jnp.concatenate([bmu, bls]).reshape(1, 2 * OUT_CH)
    out = pl.pallas_call(
        _tc_post,
        out_shape=jax.ShapeDtypeStruct((N_NODES, 2 * OUT_CH), jnp.float32),
    )(g, wcat, bcat)

    return out[:, :OUT_CH], out[:, OUT_CH:]

# --- scband reference (transcript-rebuilt; emitter-appended) ---
"""Pipeline reference for scband-variational-gcnencoder-6743098654921 (READ-ONLY COPY).

The authoritative reference and input builder live on the scoring server;
editing this copy changes nothing except your own understanding.
"""

import jax, jax.numpy as jnp
import numpy as np

N_NODES = 10000
N_EDGES = 320000
IN_CH = 128
OUT_CH = 48
HID = 2 * OUT_CH


def gcn_conv(x, edge_index, W, b):
    # Faithful GCNConv: linear transform, add self-loops, symmetric normalization, scatter-add aggregate
    N = x.shape[0]
    loop = jnp.arange(N, dtype=edge_index.dtype)
    src = jnp.concatenate([edge_index[0], loop])
    dst = jnp.concatenate([edge_index[1], loop])
    deg = jnp.zeros((N,), dtype=x.dtype).at[dst].add(1.0)
    deg_inv_sqrt = jnp.where(deg > 0, deg ** -0.5, 0.0)
    norm = deg_inv_sqrt[src] * deg_inv_sqrt[dst]
    h = x @ W
    msg = h[src] * norm[:, None]
    out = jnp.zeros((N, W.shape[1]), dtype=x.dtype).at[dst].add(msg)
    return out + b


def setup_inputs(seed: int = 0) -> dict:
    key = jax.random.key(seed)
    ks = jax.random.split(key, 8)
    x = jax.random.normal(ks[0], (N_NODES, IN_CH), dtype=jnp.float32)
    edge_index = jax.random.randint(ks[1], (2, N_EDGES), 0, N_NODES, dtype=jnp.int64)
    W1 = jax.random.normal(ks[2], (IN_CH, HID), dtype=jnp.float32) * 0.05
    b1 = jnp.zeros((HID,), dtype=jnp.float32)
    Wmu = jax.random.normal(ks[3], (HID, OUT_CH), dtype=jnp.float32) * 0.05
    bmu = jnp.zeros((OUT_CH,), dtype=jnp.float32)
    Wls = jax.random.normal(ks[4], (HID, OUT_CH), dtype=jnp.float32) * 0.05
    bls = jnp.zeros((OUT_CH,), dtype=jnp.float32)
    return {"x": x, "edge_index": edge_index, "W1": W1, "b1": b1, "Wmu": Wmu, "bmu": bmu, "Wls": Wls, "bls": bls}


def reference(x, edge_index, W1, b1, Wmu, bmu, Wls, bls):
    h = jax.nn.relu(gcn_conv(x, edge_index, W1, b1))
    mu = gcn_conv(h, edge_index, Wmu, bmu)
    logstd = gcn_conv(h, edge_index, Wls, bls)
    return (mu, logstd)

if __name__ == "__main__":
    import jax
    _d = setup_inputs()
    print(jax.jit(kernel)(*tuple(_d.values())))

</pallas_src>

<mosaic_0001>
#map = affine_map<(d0, d1) -> (0, 0)>
#map1 = affine_map<(d0, d1) -> (0)>
module attributes {stable_mosaic.version = 14 : i64} {
  func.func @_gcn_sc_kernel(%arg0: i32, %arg1: i32, %arg2: memref<10240x128xf32, #tpu.memory_space<hbm>>, %arg3: memref<2500x128xi32, #tpu.memory_space<hbm>>, %arg4: memref<2500x128xi32, #tpu.memory_space<hbm>>, %arg5: memref<128xf32, #tpu.memory_space<hbm>>, %arg6: memref<10240x128xf32, #tpu.memory_space<hbm>>, %arg7: memref<20480x128xf32, #tpu.memory_space<hbm>>, %arg8: memref<128xi32, #tpu.memory_space<vmem>>, %arg9: memref<128xi32, #tpu.memory_space<vmem>>, %arg10: memref<128x128xf32, #tpu.memory_space<vmem>>, %arg11: memref<64x128xf32, #tpu.memory_space<vmem>>, %arg12: memref<64x128xf32, #tpu.memory_space<vmem>>, %arg13: memref<128xf32, #tpu.memory_space<vmem>>, %arg14: memref<64x128xf32, #tpu.memory_space<vmem>>, %arg15: memref<10240x128xf32, #tpu.memory_space<vmem_shared>>, %arg16: memref<!tpu.dma_semaphore, #tpu.memory_space<semaphore_mem>>) attributes {dimension_semantics = [#tpu.dimension_semantics<core_parallel>, #tpu.dimension_semantics<subcore_parallel>], iteration_bounds = array<i64: 2, 16>, scalar_prefetch = 0 : i64, scratch_operands = 9 : i64, tpu.core_type = #tpu.core_type<sc_vector_subcore>, window_params = [{transform_indices = #map}, {transform_indices = #map}, {transform_indices = #map}, {transform_indices = #map1}, {transform_indices = #map}, {transform_indices = #map}]} {
    %mul3A = arith.constant 640 : i32
    %mul3A_0 = arith.muli %arg1, %mul3A : i32
    %mul3A_1 = arith.constant 10240 : i32
    %mul3A_2 = arith.muli %arg0, %mul3A_1 : i32
    %broadcast_in_dim3A = arith.constant 0.000000e+00 : f32
    %broadcast_in_dim3A_3 = vector.broadcast %broadcast_in_dim3A : f32 to vector<16xf32>
    %broadcast_in_dim3A_4 = arith.constant 1.000000e+00 : f32
    %broadcast_in_dim3A_5 = vector.broadcast %broadcast_in_dim3A_4 : f32 to vector<16xf32>
    %min3A = arith.constant 4 : i32
    %min3A_6 = arith.minsi %arg1, %min3A : i32
    %mul3A_7 = arith.constant 156 : i32
    %mul3A_8 = arith.muli %arg1, %mul3A_7 : i32
    %add3A = arith.addi %mul3A_8, %min3A_6 : i32
    %lt3A = arith.constant 4 : i32
    %lt3A_9 = arith.cmpi slt, %arg1, %lt3A : i32
    %jit3A = arith.constant 1 : i32
    %jit3A_10 = arith.constant 0 : i32
    %select_n3A = arith.select %lt3A_9, %jit3A, %jit3A_10 : i32
    %add3A_11 = arith.constant 156 : i32
    %add3A_12 = arith.addi %add3A_11, %select_n3A : i32
    %scan3A = arith.constant 0 : i32
    %scan3A_13 = arith.constant 0 : i32
    %scan3A_14 = arith.constant 128 : i32
    %scan3A_15 = arith.addi %scan3A_13, %scan3A_14 : i32
    %scan3A_16 = arith.constant 1 : i32
    scf.for %scan3A_78 = %scan3A_13 to %scan3A_15 step %scan3A_16  : i32 {
      %swap3A = arith.index_cast %scan3A_78 : i32 to index
      %swap3A_79 = arith.constant 0 : index
      %swap3A_80 = tpu.vector_load %arg10[%swap3A, %swap3A_79] {strides = array<i32>} : memref<128x128xf32, #tpu.memory_space<vmem>>, vector<1x16xf32>,
      %swap3A_81 = vector.shape_cast %swap3A_80 : vector<1x16xf32> to vector<16xf32>
      %swap3A_82 = vector.shape_cast %broadcast_in_dim3A_5 : vector<16xf32> to vector<1x16xf32>
      tpu.vector_store %arg10[%swap3A, %swap3A_79], %swap3A_82 {strides = array<i32>} : memref<128x128xf32, #tpu.memory_space<vmem>>, vector<1x16xf32>,
      %swap3A_83 = arith.index_cast %scan3A_78 : i32 to index
      %swap3A_84 = arith.constant 16 : index
      %swap3A_85 = tpu.vector_load %arg10[%swap3A_83, %swap3A_84] {strides = array<i32>} : memref<128x128xf32, #tpu.memory_space<vmem>>, vector<1x16xf32>,
      %swap3A_86 = vector.shape_cast %swap3A_85 : vector<1x16xf32> to vector<16xf32>
      %swap3A_87 = vector.shape_cast %broadcast_in_dim3A_5 : vector<16xf32> to vector<1x16xf32>
      tpu.vector_store %arg10[%swap3A_83, %swap3A_84], %swap3A_87 {strides = array<i32>} : memref<128x128xf32, #tpu.memory_space<vmem>>, vector<1x16xf32>,
      %swap3A_88 = arith.index_cast %scan3A_78 : i32 to index
      %swap3A_89 = arith.constant 32 : index
      %swap3A_90 = tpu.vector_load %arg10[%swap3A_88, %swap3A_89] {strides = array<i32>} : memref<128x128xf32, #tpu.memory_space<vmem>>, vector<1x16xf32>,
      %swap3A_91 = vector.shape_cast %swap3A_90 : vector<1x16xf32> to vector<16xf32>
      %swap3A_92 = vector.shape_cast %broadcast_in_dim3A_5 : vector<16xf32> to vector<1x16xf32>
      tpu.vector_store %arg10[%swap3A_88, %swap3A_89], %swap3A_92 {strides = array<i32>} : memref<128x128xf32, #tpu.memory_space<vmem>>, vector<1x16xf32>,
      %swap3A_93 = arith.index_cast %scan3A_78 : i32 to index
      %swap3A_94 = arith.constant 48 : index
      %swap3A_95 = tpu.vector_load %arg10[%swap3A_93, %swap3A_94] {strides = array<i32>} : memref<128x128xf32, #tpu.memory_space<vmem>>, vector<1x16xf32>,
      %swap3A_96 = vector.shape_cast %swap3A_95 : vector<1x16xf32> to vector<16xf32>
      %swap3A_97 = vector.shape_cast %broadcast_in_dim3A_5 : vector<16xf32> to vector<1x16xf32>
      tpu.vector_store %arg10[%swap3A_93, %swap3A_94], %swap3A_97 {strides = array<i32>} : memref<128x128xf32, #tpu.memory_space<vmem>>, vector<1x16xf32>,
      %swap3A_98 = arith.index_cast %scan3A_78 : i32 to index
      %swap3A_99 = arith.constant 64 : index
      %swap3A_100 = tpu.vector_load %arg10[%swap3A_98, %swap3A_99] {strides = array<i32>} : memref<128x128xf32, #tpu.memory_space<vmem>>, vector<1x16xf32>,
      %swap3A_101 = vector.shape_cast %swap3A_100 : vector<1x16xf32> to vector<16xf32>
      %swap3A_102 = vector.shape_cast %broadcast_in_dim3A_5 : vector<16xf32> to vector<1x16xf32>
      tpu.vector_store %arg10[%swap3A_98, %swap3A_99], %swap3A_102 {strides = array<i32>} : memref<128x128xf32, #tpu.memory_space<vmem>>, vector<1x16xf32>,
      %swap3A_103 = arith.index_cast %scan3A_78 : i32 to index
      %swap3A_104 = arith.constant 80 : index
      %swap3A_105 = tpu.vector_load %arg10[%swap3A_103, %swap3A_104] {strides = array<i32>} : memref<128x128xf32, #tpu.memory_space<vmem>>, vector<1x16xf32>,
      %swap3A_106 = vector.shape_cast %swap3A_105 : vector<1x16xf32> to vector<16xf32>
      %swap3A_107 = vector.shape_cast %broadcast_in_dim3A_5 : vector<16xf32> to vector<1x16xf32>
      tpu.vector_store %arg10[%swap3A_103, %swap3A_104], %swap3A_107 {strides = array<i32>} : memref<128x128xf32, #tpu.memory_space<vmem>>, vector<1x16xf32>,
      %swap3A_108 = arith.index_cast %scan3A_78 : i32 to index
      %swap3A_109 = arith.constant 96 : index
      %swap3A_110 = tpu.vector_load %arg10[%swap3A_108, %swap3A_109] {strides = array<i32>} : memref<128x128xf32, #tpu.memory_space<vmem>>, vector<1x16xf32>,
      %swap3A_111 = vector.shape_cast %swap3A_110 : vector<1x16xf32> to vector<16xf32>
      %swap3A_112 = vector.shape_cast %broadcast_in_dim3A_5 : vector<16xf32> to vector<1x16xf32>
      tpu.vector_store %arg10[%swap3A_108, %swap3A_109], %swap3A_112 {strides = array<i32>} : memref<128x128xf32, #tpu.memory_space<vmem>>, vector<1x16xf32>,
      %swap3A_113 = arith.index_cast %scan3A_78 : i32 to index
      %swap3A_114 = arith.constant 112 : index
      %swap3A_115 = tpu.vector_load %arg10[%swap3A_113, %swap3A_114] {strides = array<i32>} : memref<128x128xf32, #tpu.memory_space<vmem>>, vector<1x16xf32>,
      %swap3A_116 = vector.shape_cast %swap3A_115 : vector<1x16xf32> to vector<16xf32>
      %swap3A_117 = vector.shape_cast %broadcast_in_dim3A_5 : vector<16xf32> to vector<1x16xf32>
      tpu.vector_store %arg10[%swap3A_113, %swap3A_114], %swap3A_117 {strides = array<i32>} : memref<128x128xf32, #tpu.memory_space<vmem>>, vector<1x16xf32>,
    }
    %scan3A_17 = arith.constant 128 : i32
    %scan3A_18 = arith.constant 0 : i32
    %scan3A_19 = arith.constant 0 : i32
    %scan3A_20 = arith.constant 64 : i32
    %scan3A_21 = arith.addi %scan3A_19, %scan3A_20 : i32
    %scan3A_22 = arith.constant 1 : i32
    scf.for %scan3A_78 = %scan3A_19 to %scan3A_21 step %scan3A_22  : i32 {
      %swap3A = arith.index_cast %scan3A_78 : i32 to index
      %swap3A_79 = arith.constant 0 : index
      %swap3A_80 = tpu.vector_load %arg14[%swap3A, %swap3A_79] {strides = array<i32>} : memref<64x128xf32, #tpu.memory_space<vmem>>, vector<1x16xf32>,
      %swap3A_81 = vector.shape_cast %swap3A_80 : vector<1x16xf32> to vector<16xf32>
      %swap3A_82 = vector.shape_cast %broadcast_in_dim3A_3 : vector<16xf32> to vector<1x16xf32>
      tpu.vector_store %arg14[%swap3A, %swap3A_79], %swap3A_82 {strides = array<i32>} : memref<64x128xf32, #tpu.memory_space<vmem>>, vector<1x16xf32>,
      %swap3A_83 = arith.index_cast %scan3A_78 : i32 to index
      %swap3A_84 = arith.constant 16 : index
      %swap3A_85 = tpu.vector_load %arg14[%swap3A_83, %swap3A_84] {strides = array<i32>} : memref<64x128xf32, #tpu.memory_space<vmem>>, vector<1x16xf32>,
      %swap3A_86 = vector.shape_cast %swap3A_85 : vector<1x16xf32> to vector<16xf32>
      %swap3A_87 = vector.shape_cast %broadcast_in_dim3A_3 : vector<16xf32> to vector<1x16xf32>
      tpu.vector_store %arg14[%swap3A_83, %swap3A_84], %swap3A_87 {strides = array<i32>} : memref<64x128xf32, #tpu.memory_space<vmem>>, vector<1x16xf32>,
      %swap3A_88 = arith.index_cast %scan3A_78 : i32 to index
      %swap3A_89 = arith.constant 32 : index
      %swap3A_90 = tpu.vector_load %arg14[%swap3A_88, %swap3A_89] {strides = array<i32>} : memref<64x128xf32, #tpu.memory_space<vmem>>, vector<1x16xf32>,
      %swap3A_91 = vector.shape_cast %swap3A_90 : vector<1x16xf32> to vector<16xf32>
      %swap3A_92 = vector.shape_cast %broadcast_in_dim3A_3 : vector<16xf32> to vector<1x16xf32>
      tpu.vector_store %arg14[%swap3A_88, %swap3A_89], %swap3A_92 {strides = array<i32>} : memref<64x128xf32, #tpu.memory_space<vmem>>, vector<1x16xf32>,
      %swap3A_93 = arith.index_cast %scan3A_78 : i32 to index
      %swap3A_94 = arith.constant 48 : index
      %swap3A_95 = tpu.vector_load %arg14[%swap3A_93, %swap3A_94] {strides = array<i32>} : memref<64x128xf32, #tpu.memory_space<vmem>>, vector<1x16xf32>,
      %swap3A_96 = vector.shape_cast %swap3A_95 : vector<1x16xf32> to vector<16xf32>
      %swap3A_97 = vector.shape_cast %broadcast_in_dim3A_3 : vector<16xf32> to vector<1x16xf32>
      tpu.vector_store %arg14[%swap3A_93, %swap3A_94], %swap3A_97 {strides = array<i32>} : memref<64x128xf32, #tpu.memory_space<vmem>>, vector<1x16xf32>,
      %swap3A_98 = arith.index_cast %scan3A_78 : i32 to index
      %swap3A_99 = arith.constant 64 : index
      %swap3A_100 = tpu.vector_load %arg14[%swap3A_98, %swap3A_99] {strides = array<i32>} : memref<64x128xf32, #tpu.memory_space<vmem>>, vector<1x16xf32>,
      %swap3A_101 = vector.shape_cast %swap3A_100 : vector<1x16xf32> to vector<16xf32>
      %swap3A_102 = vector.shape_cast %broadcast_in_dim3A_3 : vector<16xf32> to vector<1x16xf32>
      tpu.vector_store %arg14[%swap3A_98, %swap3A_99], %swap3A_102 {strides = array<i32>} : memref<64x128xf32, #tpu.memory_space<vmem>>, vector<1x16xf32>,
      %swap3A_103 = arith.index_cast %scan3A_78 : i32 to index
      %swap3A_104 = arith.constant 80 : index
      %swap3A_105 = tpu.vector_load %arg14[%swap3A_103, %swap3A_104] {strides = array<i32>} : memref<64x128xf32, #tpu.memory_space<vmem>>, vector<1x16xf32>,
      %swap3A_106 = vector.shape_cast %swap3A_105 : vector<1x16xf32> to vector<16xf32>
      %swap3A_107 = vector.shape_cast %broadcast_in_dim3A_3 : vector<16xf32> to vector<1x16xf32>
      tpu.vector_store %arg14[%swap3A_103, %swap3A_104], %swap3A_107 {strides = array<i32>} : memref<64x128xf32, #tpu.memory_space<vmem>>, vector<1x16xf32>,
      %swap3A_108 = arith.index_cast %scan3A_78 : i32 to index
      %swap3A_109 = arith.constant 96 : index
      %swap3A_110 = tpu.vector_load %arg14[%swap3A_108, %swap3A_109] {strides = array<i32>} : memref<64x128xf32, #tpu.memory_space<vmem>>, vector<1x16xf32>,
      %swap3A_111 = vector.shape_cast %swap3A_110 : vector<1x16xf32> to vector<16xf32>
      %swap3A_112 = vector.shape_cast %broadcast_in_dim3A_3 : vector<16xf32> to vector<1x16xf32>
      tpu.vector_store %arg14[%swap3A_108, %swap3A_109], %swap3A_112 {strides = array<i32>} : memref<64x128xf32, #tpu.memory_space<vmem>>, vector<1x16xf32>,
      %swap3A_113 = arith.index_cast %scan3A_78 : i32 to index
      %swap3A_114 = arith.constant 112 : index
      %swap3A_115 = tpu.vector_load %arg14[%swap3A_113, %swap3A_114] {strides = array<i32>} : memref<64x128xf32, #tpu.memory_space<vmem>>, vector<1x16xf32>,
      %swap3A_116 = vector.shape_cast %swap3A_115 : vector<1x16xf32> to vector<16xf32>
      %swap3A_117 = vector.shape_cast %broadcast_in_dim3A_3 : vector<16xf32> to vector<1x16xf32>
      tpu.vector_store %arg14[%swap3A_113, %swap3A_114], %swap3A_117 {strides = array<i32>} : memref<64x128xf32, #tpu.memory_space<vmem>>, vector<1x16xf32>,
    }
    %scan3A_23 = arith.constant 64 : i32
    %scan3A_24 = arith.constant 0 : i32
    %scan3A_25 = arith.constant 0 : i32
    %scan3A_26 = arith.constant 10 : i32
    %scan3A_27 = arith.addi %scan3A_25, %scan3A_26 : i32
    %scan3A_28 = arith.constant 1 : i32
    scf.for %scan3A_78 = %scan3A_25 to %scan3A_27 step %scan3A_28  : i32 {
      %mul3A_79 = arith.constant 64 : i32
      %mul3A_80 = arith.muli %scan3A_78, %mul3A_79 : i32
      %add3A_81 = arith.addi %mul3A_0, %mul3A_80 : i32
      "tpu.region"() ({
        %run_scoped3A = tpu.sem_alloc : memref<!tpu.dma_semaphore, #tpu.memory_space<semaphore_mem>>
        %dma_start3A = arith.constant 0 : i32
        %dma_start3A_82 = tpu.memref_slice %arg15[%add3A_81, %dma_start3A] : memref<10240x128xf32, #tpu.memory_space<vmem_shared>> -> memref<64x128xf32, #tpu.memory_space<vmem_shared>>
        %dma_start3A_83 = arith.constant 0 : i32
        %dma_start3A_84 = tpu.memref_slice %arg15[%add3A_81, %dma_start3A_83] : memref<10240x128xf32, #tpu.memory_space<vmem_shared>> -> memref<64x128xf32, #tpu.memory_space<vmem_shared>>
        tpu.enqueue_dma source(%arg14 : memref<64x128xf32, #tpu.memory_space<vmem>>) target(%dma_start3A_84 : memref<64x128xf32, #tpu.memory_space<vmem_shared>>) target_semaphore(%run_scoped3A : memref<!tpu.dma_semaphore, #tpu.memory_space<semaphore_mem>>)
        %dma_wait3A = arith.constant 0 : i32
        %dma_wait3A_85 = tpu.memref_slice %arg15[%add3A_81, %dma_wait3A] : memref<10240x128xf32, #tpu.memory_space<vmem_shared>> -> memref<64x128xf32, #tpu.memory_space<vmem_shared>>
        %dma_wait3A_86 = arith.constant 0 : i32
        %dma_wait3A_87 = tpu.memref_slice %arg15[%add3A_81, %dma_wait3A_86] : memref<10240x128xf32, #tpu.memory_space<vmem_shared>> -> memref<64x128xf32, #tpu.memory_space<vmem_shared>>
        tpu.wait_dma2 semaphore(%run_scoped3A : memref<!tpu.dma_semaphore, #tpu.memory_space<semaphore_mem>>) src(%arg14 : memref<64x128xf32, #tpu.memory_space<vmem>>) dst(%dma_wait3A_87 : memref<64x128xf32, #tpu.memory_space<vmem_shared>>)
        tpu.yield
      }) : () -> ()
    }
    %scan3A_29 = arith.constant 10 : i32
    "tpu.region"() ({
      %run_scoped3A = tpu.sem_alloc : memref<!tpu.dma_semaphore, #tpu.memory_space<semaphore_mem>>
      tpu.enqueue_dma source(%arg5 : memref<128xf32, #tpu.memory_space<hbm>>) target(%arg13 : memref<128xf32, #tpu.memory_space<vmem>>) target_semaphore(%run_scoped3A : memref<!tpu.dma_semaphore, #tpu.memory_space<semaphore_mem>>)
      tpu.wait_dma2 semaphore(%run_scoped3A : memref<!tpu.dma_semaphore, #tpu.memory_space<semaphore_mem>>) src(%arg5 : memref<128xf32, #tpu.memory_space<hbm>>) dst(%arg13 : memref<128xf32, #tpu.memory_space<vmem>>)
      tpu.yield
    }) : () -> ()
    %barrier3A = arith.constant 0 : index
    tpu.barrier barrier_id(%barrier3A)
    %while3A = arith.constant 0 : i32
    %while3A_30 = arith.constant 0 : i32
    %while3A_31 = arith.subi %add3A_12, %while3A_30 : i32
    %while3A_32 = arith.addi %while3A_30, %while3A_31 : i32
    %while3A_33 = arith.constant 1 : i32
    %while3A_34 = arith.divsi %while3A_31, %while3A_33 : i32
    %while3A_35 = arith.muli %while3A_34, %while3A_33 : i32
    %while3A_36 = arith.addi %while3A_30, %while3A_35 : i32
    %while3A_37 = arith.constant 1 : i32
    scf.for %while3A_78 = %while3A_30 to %while3A_36 step %while3A_37  : i32 {
      %add3A_79 = arith.addi %add3A, %while3A_78 : i32
      "tpu.region"() ({
        %run_scoped3A = tpu.sem_alloc : memref<!tpu.dma_semaphore, #tpu.memory_space<semaphore_mem>>
        %dma_start3A = arith.constant 0 : i32
        %dma_start3A_80 = tpu.memref_slice %arg4[%add3A_79, %dma_start3A] : memref<2500x128xi32, #tpu.memory_space<hbm>> -> memref<1x128xi32, #tpu.memory_space<hbm>>
        %dma_start3A_81 = tpu.memref_squeeze %dma_start3A_80 : memref<1x128xi32, #tpu.memory_space<hbm>> -> memref<128xi32, #tpu.memory_space<hbm>>
        %dma_start3A_82 = arith.constant 0 : i32
        %dma_start3A_83 = tpu.memref_slice %arg4[%add3A_79, %dma_start3A_82] : memref<2500x128xi32, #tpu.memory_space<hbm>> -> memref<1x128xi32, #tpu.memory_space<hbm>>
        %dma_start3A_84 = tpu.memref_squeeze %dma_start3A_83 : memref<1x128xi32, #tpu.memory_space<hbm>> -> memref<128xi32, #tpu.memory_space<hbm>>
        tpu.enqueue_dma source(%dma_start3A_84 : memref<128xi32, #tpu.memory_space<hbm>>) target(%arg9 : memref<128xi32, #tpu.memory_space<vmem>>) target_semaphore(%run_scoped3A : memref<!tpu.dma_semaphore, #tpu.memory_space<semaphore_mem>>)
        %dma_wait3A = arith.constant 0 : i32
        %dma_wait3A_85 = tpu.memref_slice %arg4[%add3A_79, %dma_wait3A] : memref<2500x128xi32, #tpu.memory_space<hbm>> -> memref<1x128xi32, #tpu.memory_space<hbm>>
        %dma_wait3A_86 = tpu.memref_squeeze %dma_wait3A_85 : memref<1x128xi32, #tpu.memory_space<hbm>> -> memref<128xi32, #tpu.memory_space<hbm>>
        %dma_wait3A_87 = arith.constant 0 : i32
        %dma_wait3A_88 = tpu.memref_slice %arg4[%add3A_79, %dma_wait3A_87] : memref<2500x128xi32, #tpu.memory_space<hbm>> -> memref<1x128xi32, #tpu.memory_space<hbm>>
        %dma_wait3A_89 = tpu.memref_squeeze %dma_wait3A_88 : memref<1x128xi32, #tpu.memory_space<hbm>> -> memref<128xi32, #tpu.memory_space<hbm>>
        tpu.wait_dma2 semaphore(%run_scoped3A : memref<!tpu.dma_semaphore, #tpu.memory_space<semaphore_mem>>) src(%dma_wait3A_89 : memref<128xi32, #tpu.memory_space<hbm>>) dst(%arg9 : memref<128xi32, #tpu.memory_space<vmem>>)
        tpu.yield
      }) : () -> ()
      "tpu.region"() ({
        %run_scoped3A = tpu.sem_alloc : memref<!tpu.dma_semaphore, #tpu.memory_space<semaphore_mem>>
        %dma_start3A = arith.constant 0 : i32
        %dma_start3A_80 = arith.constant 0 : i32
        %dma_start3A_81 = tpu.memref_slice %arg15[%dma_start3A, %dma_start3A_80] : memref<10240x128xf32, #tpu.memory_space<vmem_shared>> -> memref<10240x128xf32, #tpu.memory_space<vmem_shared>>
        tpu.enqueue_indirect_dma source(%arg10 : memref<128x128xf32, #tpu.memory_space<vmem>>) target(%dma_start3A_81 : memref<10240x128xf32, #tpu.memory_space<vmem_shared>>) offsets(%arg9 : memref<128xi32, #tpu.memory_space<vmem>>) semaphore(%run_scoped3A : memref<!tpu.dma_semaphore, #tpu.memory_space<semaphore_mem>>) {add = true}
        %dma_wait3A = arith.constant 0 : i32
        %dma_wait3A_82 = arith.constant 0 : i32
        %dma_wait3A_83 = tpu.memref_slice %arg15[%dma_wait3A, %dma_wait3A_82] : memref<10240x128xf32, #tpu.memory_space<vmem_shared>> -> memref<10240x128xf32, #tpu.memory_space<vmem_shared>>
        tpu.wait_indirect_dma semaphore(%run_scoped3A : memref<!tpu.dma_semaphore, #tpu.memory_space<semaphore_mem>>) src(%arg10 : memref<128x128xf32, #tpu.memory_space<vmem>>) dst(%dma_wait3A_83 : memref<10240x128xf32, #tpu.memory_space<vmem_shared>>)
        tpu.yield
      }) : () -> ()
    }
    %while3A_38 = arith.constant 1 : i32
    scf.for %while3A_78 = %while3A_36 to %while3A_32 step %while3A_38  : i32 {
      %add3A_79 = arith.addi %add3A, %while3A_78 : i32
      "tpu.region"() ({
        %run_scoped3A = tpu.sem_alloc : memref<!tpu.dma_semaphore, #tpu.memory_space<semaphore_mem>>
        %dma_start3A = arith.constant 0 : i32
        %dma_start3A_80 = tpu.memref_slice %arg4[%add3A_79, %dma_start3A] : memref<2500x128xi32, #tpu.memory_space<hbm>> -> memref<1x128xi32, #tpu.memory_space<hbm>>
        %dma_start3A_81 = tpu.memref_squeeze %dma_start3A_80 : memref<1x128xi32, #tpu.memory_space<hbm>> -> memref<128xi32, #tpu.memory_space<hbm>>
        %dma_start3A_82 = arith.constant 0 : i32
        %dma_start3A_83 = tpu.memref_slice %arg4[%add3A_79, %dma_start3A_82] : memref<2500x128xi32, #tpu.memory_space<hbm>> -> memref<1x128xi32, #tpu.memory_space<hbm>>
        %dma_start3A_84 = tpu.memref_squeeze %dma_start3A_83 : memref<1x128xi32, #tpu.memory_space<hbm>> -> memref<128xi32, #tpu.memory_space<hbm>>
        tpu.enqueue_dma source(%dma_start3A_84 : memref<128xi32, #tpu.memory_space<hbm>>) target(%arg9 : memref<128xi32, #tpu.memory_space<vmem>>) target_semaphore(%run_scoped3A : memref<!tpu.dma_semaphore, #tpu.memory_space<semaphore_mem>>)
        %dma_wait3A = arith.constant 0 : i32
        %dma_wait3A_85 = tpu.memref_slice %arg4[%add3A_79, %dma_wait3A] : memref<2500x128xi32, #tpu.memory_space<hbm>> -> memref<1x128xi32, #tpu.memory_space<hbm>>
        %dma_wait3A_86 = tpu.memref_squeeze %dma_wait3A_85 : memref<1x128xi32, #tpu.memory_space<hbm>> -> memref<128xi32, #tpu.memory_space<hbm>>
        %dma_wait3A_87 = arith.constant 0 : i32
        %dma_wait3A_88 = tpu.memref_slice %arg4[%add3A_79, %dma_wait3A_87] : memref<2500x128xi32, #tpu.memory_space<hbm>> -> memref<1x128xi32, #tpu.memory_space<hbm>>
        %dma_wait3A_89 = tpu.memref_squeeze %dma_wait3A_88 : memref<1x128xi32, #tpu.memory_space<hbm>> -> memref<128xi32, #tpu.memory_space<hbm>>
        tpu.wait_dma2 semaphore(%run_scoped3A : memref<!tpu.dma_semaphore, #tpu.memory_space<semaphore_mem>>) src(%dma_wait3A_89 : memref<128xi32, #tpu.memory_space<hbm>>) dst(%arg9 : memref<128xi32, #tpu.memory_space<vmem>>)
        tpu.yield
      }) : () -> ()
      "tpu.region"() ({
        %run_scoped3A = tpu.sem_alloc : memref<!tpu.dma_semaphore, #tpu.memory_space<semaphore_mem>>
        %dma_start3A = arith.constant 0 : i32
        %dma_start3A_80 = arith.constant 0 : i32
        %dma_start3A_81 = tpu.memref_slice %arg15[%dma_start3A, %dma_start3A_80] : memref<10240x128xf32, #tpu.memory_space<vmem_shared>> -> memref<10240x128xf32, #tpu.memory_space<vmem_shared>>
        tpu.enqueue_indirect_dma source(%arg10 : memref<128x128xf32, #tpu.memory_space<vmem>>) target(%dma_start3A_81 : memref<10240x128xf32, #tpu.memory_space<vmem_shared>>) offsets(%arg9 : memref<128xi32, #tpu.memory_space<vmem>>) semaphore(%run_scoped3A : memref<!tpu.dma_semaphore, #tpu.memory_space<semaphore_mem>>) {add = true}
        %dma_wait3A = arith.constant 0 : i32
        %dma_wait3A_82 = arith.constant 0 : i32
        %dma_wait3A_83 = tpu.memref_slice %arg15[%dma_wait3A, %dma_wait3A_82] : memref<10240x128xf32, #tpu.memory_space<vmem_shared>> -> memref<10240x128xf32, #tpu.memory_space<vmem_shared>>
        tpu.wait_indirect_dma semaphore(%run_scoped3A : memref<!tpu.dma_semaphore, #tpu.memory_space<semaphore_mem>>) src(%arg10 : memref<128x128xf32, #tpu.memory_space<vmem>>) dst(%dma_wait3A_83 : memref<10240x128xf32, #tpu.memory_space<vmem_shared>>)
        tpu.yield
      }) : () -> ()
    }
    %barrier3A_39 = arith.constant 0 : index
    tpu.barrier barrier_id(%barrier3A_39)
    %scan3A_40 = arith.constant 0 : i32
    %scan3A_41 = arith.constant 0 : i32
    %scan3A_42 = arith.constant 10 : i32
    %scan3A_43 = arith.addi %scan3A_41, %scan3A_42 : i32
    %scan3A_44 = arith.constant 1 : i32
    scf.for %scan3A_78 = %scan3A_41 to %scan3A_43 step %scan3A_44  : i32 {
      %mul3A_79 = arith.constant 64 : i32
      %mul3A_80 = arith.muli %scan3A_78, %mul3A_79 : i32
      %add3A_81 = arith.addi %mul3A_0, %mul3A_80 : i32
      "tpu.region"() ({
        %run_scoped3A = tpu.sem_alloc : memref<!tpu.dma_semaphore, #tpu.memory_space<semaphore_mem>>
        %dma_start3A = arith.constant 0 : i32
        %dma_start3A_98 = tpu.memref_slice %arg2[%add3A_81, %dma_start3A] : memref<10240x128xf32, #tpu.memory_space<hbm>> -> memref<64x128xf32, #tpu.memory_space<hbm>>
        %dma_start3A_99 = arith.constant 0 : i32
        %dma_start3A_100 = tpu.memref_slice %arg2[%add3A_81, %dma_start3A_99] : memref<10240x128xf32, #tpu.memory_space<hbm>> -> memref<64x128xf32, #tpu.memory_space<hbm>>
        tpu.enqueue_dma source(%dma_start3A_100 : memref<64x128xf32, #tpu.memory_space<hbm>>) target(%arg11 : memref<64x128xf32, #tpu.memory_space<vmem>>) target_semaphore(%run_scoped3A : memref<!tpu.dma_semaphore, #tpu.memory_space<semaphore_mem>>)
        %dma_wait3A = arith.constant 0 : i32
        %dma_wait3A_101 = tpu.memref_slice %arg2[%add3A_81, %dma_wait3A] : memref<10240x128xf32, #tpu.memory_space<hbm>> -> memref<64x128xf32, #tpu.memory_space<hbm>>
        %dma_wait3A_102 = arith.constant 0 : i32
        %dma_wait3A_103 = tpu.memref_slice %arg2[%add3A_81, %dma_wait3A_102] : memref<10240x128xf32, #tpu.memory_space<hbm>> -> memref<64x128xf32, #tpu.memory_space<hbm>>
        tpu.wait_dma2 semaphore(%run_scoped3A : memref<!tpu.dma_semaphore, #tpu.memory_space<semaphore_mem>>) src(%dma_wait3A_103 : memref<64x128xf32, #tpu.memory_space<hbm>>) dst(%arg11 : memref<64x128xf32, #tpu.memory_space<vmem>>)
        tpu.yield
      }) : () -> ()
      %mul3A_82 = arith.constant 64 : i32
      %mul3A_83 = arith.muli %scan3A_78, %mul3A_82 : i32
      %add3A_84 = arith.addi %mul3A_0, %mul3A_83 : i32
      "tpu.region"() ({
        %run_scoped3A = tpu.sem_alloc : memref<!tpu.dma_semaphore, #tpu.memory_space<semaphore_mem>>
        %dma_start3A = arith.constant 0 : i32
        %dma_start3A_98 = tpu.memref_slice %arg15[%add3A_84, %dma_start3A] : memref<10240x128xf32, #tpu.memory_space<vmem_shared>> -> memref<64x128xf32, #tpu.memory_space<vmem_shared>>
        %dma_start3A_99 = arith.constant 0 : i32
        %dma_start3A_100 = tpu.memref_slice %arg15[%add3A_84, %dma_start3A_99] : memref<10240x128xf32, #tpu.memory_space<vmem_shared>> -> memref<64x128xf32, #tpu.memory_space<vmem_shared>>
        tpu.enqueue_dma source(%dma_start3A_100 : memref<64x128xf32, #tpu.memory_space<vmem_shared>>) target(%arg12 : memref<64x128xf32, #tpu.memory_space<vmem>>) target_semaphore(%run_scoped3A : memref<!tpu.dma_semaphore, #tpu.memory_space<semaphore_mem>>)
        %dma_wait3A = arith.constant 0 : i32
        %dma_wait3A_101 = tpu.memref_slice %arg15[%add3A_84, %dma_wait3A] : memref<10240x128xf32, #tpu.memory_space<vmem_shared>> -> memref<64x128xf32, #tpu.memory_space<vmem_shared>>
        %dma_wait3A_102 = arith.constant 0 : i32
        %dma_wait3A_103 = tpu.memref_slice %arg15[%add3A_84, %dma_wait3A_102] : memref<10240x128xf32, #tpu.memory_space<vmem_shared>> -> memref<64x128xf32, #tpu.memory_space<vmem_shared>>
        tpu.wait_dma2 semaphore(%run_scoped3A : memref<!tpu.dma_semaphore, #tpu.memory_space<semaphore_mem>>) src(%dma_wait3A_103 : memref<64x128xf32, #tpu.memory_space<vmem_shared>>) dst(%arg12 : memref<64x128xf32, #tpu.memory_space<vmem>>)
        tpu.yield
      }) : () -> ()
      %scan3A_85 = arith.constant 0 : i32
      %scan3A_86 = arith.constant 0 : i32
      %scan3A_87 = arith.constant 64 : i32
      %scan3A_88 = arith.addi %scan3A_86, %scan3A_87 : i32
      %scan3A_89 = arith.constant 1 : i32
      scf.for %scan3A_98 = %scan3A_86 to %scan3A_88 step %scan3A_89  : i32 {
        %get3A = arith.index_cast %scan3A_98 : i32 to index
        %get3A_99 = arith.constant 0 : index
        %get3A_100 = tpu.vector_load %arg12[%get3A, %get3A_99] {strides = array<i32>} : memref<64x128xf32, #tpu.memory_space<vmem>>, vector<1x16xf32>,
        %get3A_101 = vector.shape_cast %get3A_100 : vector<1x16xf32> to vector<16xf32>
        %add3A_102 = arith.constant 1.000000e+00 : f32
        %add3A_103 = vector.broadcast %add3A_102 : f32 to vector<16xf32>
        %add3A_104 = arith.addf %get3A_101, %add3A_103 : vector<16xf32>
        %bitcast_convert_type3A = tpu.bitcast %add3A_104 : vector<16xf32> -> vector<16xi32>
        %shift_right_arithmetic3A = arith.constant 1 : i32
        %shift_right_arithmetic3A_105 = vector.broadcast %shift_right_arithmetic3A : i32 to vector<16xi32>
        %shift_right_arithmetic3A_106 = arith.shrsi %bitcast_convert_type3A, %shift_right_arithmetic3A_105 : vector<16xi32>
        %sub3A = arith.constant 1597463007 : i32
        %sub3A_107 = vector.broadcast %sub3A : i32 to vector<16xi32>
        %sub3A_108 = arith.subi %sub3A_107, %shift_right_arithmetic3A_106 : vector<16xi32>
        %bitcast_convert_type3A_109 = tpu.bitcast %sub3A_108 : vector<16xi32> -> vector<16xf32>
        %mul3A_110 = arith.constant 5.000000e-01 : f32
        %mul3A_111 = vector.broadcast %mul3A_110 : f32 to vector<16xf32>
        %mul3A_112 = arith.mulf %mul3A_111, %add3A_104 : vector<16xf32>
        %mul3A_113 = arith.mulf %mul3A_112, %bitcast_convert_type3A_109 : vector<16xf32>
        %mul3A_114 = arith.mulf %mul3A_113, %bitcast_convert_type3A_109 : vector<16xf32>
        %sub3A_115 = arith.constant 1.500000e+00 : f32
        %sub3A_116 = vector.broadcast %sub3A_115 : f32 to vector<16xf32>
        %sub3A_117 = arith.subf %sub3A_116, %mul3A_114 : vector<16xf32>
        %mul3A_118 = arith.mulf %bitcast_convert_type3A_109, %sub3A_117 : vector<16xf32>
        %mul3A_119 = arith.constant 5.000000e-01 : f32
        %mul3A_120 = vector.broadcast %mul3A_119 : f32 to vector<16xf32>
        %mul3A_121 = arith.mulf %mul3A_120, %add3A_104 : vector<16xf32>
        %mul3A_122 = arith.mulf %mul3A_121, %mul3A_118 : vector<16xf32>
        %mul3A_123 = arith.mulf %mul3A_122, %mul3A_118 : vector<16xf32>
        %sub3A_124 = arith.constant 1.500000e+00 : f32
        %sub3A_125 = vector.broadcast %sub3A_124 : f32 to vector<16xf32>
        %sub3A_126 = arith.subf %sub3A_125, %mul3A_123 : vector<16xf32>
        %mul3A_127 = arith.mulf %mul3A_118, %sub3A_126 : vector<16xf32>
        %mul3A_128 = arith.constant 5.000000e-01 : f32
        %mul3A_129 = vector.broadcast %mul3A_128 : f32 to vector<16xf32>
        %mul3A_130 = arith.mulf %mul3A_129, %add3A_104 : vector<16xf32>
        %mul3A_131 = arith.mulf %mul3A_130, %mul3A_127 : vector<16xf32>
        %mul3A_132 = arith.mulf %mul3A_131, %mul3A_127 : vector<16xf32>
        %sub3A_133 = arith.constant 1.500000e+00 : f32
        %sub3A_134 = vector.broadcast %sub3A_133 : f32 to vector<16xf32>
        %sub3A_135 = arith.subf %sub3A_134, %mul3A_132 : vector<16xf32>
        %mul3A_136 = arith.mulf %mul3A_127, %sub3A_135 : vector<16xf32>
        %get3A_137 = arith.index_cast %scan3A_98 : i32 to index
        %get3A_138 = arith.constant 0 : index
        %get3A_139 = tpu.vector_load %arg11[%get3A_137, %get3A_138] {strides = array<i32>} : memref<64x128xf32, #tpu.memory_space<vmem>>, vector<1x16xf32>,
        %get3A_140 = vector.shape_cast %get3A_139 : vector<1x16xf32> to vector<16xf32>
        %mul3A_141 = arith.mulf %get3A_140, %mul3A_136 : vector<16xf32>
        %swap3A = arith.index_cast %scan3A_98 : i32 to index
        %swap3A_142 = arith.constant 0 : index
        %swap3A_143 = tpu.vector_load %arg11[%swap3A, %swap3A_142] {strides = array<i32>} : memref<64x128xf32, #tpu.memory_space<vmem>>, vector<1x16xf32>,
        %swap3A_144 = vector.shape_cast %swap3A_143 : vector<1x16xf32> to vector<16xf32>
        %swap3A_145 = vector.shape_cast %mul3A_141 : vector<16xf32> to vector<1x16xf32>
        tpu.vector_store %arg11[%swap3A, %swap3A_142], %swap3A_145 {strides = array<i32>} : memref<64x128xf32, #tpu.memory_space<vmem>>, vector<1x16xf32>,
        %get3A_146 = arith.index_cast %scan3A_98 : i32 to index
        %get3A_147 = arith.constant 16 : index
        %get3A_148 = tpu.vector_load %arg11[%get3A_146, %get3A_147] {strides = array<i32>} : memref<64x128xf32, #tpu.memory_space<vmem>>, vector<1x16xf32>,
        %get3A_149 = vector.shape_cast %get3A_148 : vector<1x16xf32> to vector<16xf32>
        %mul3A_150 = arith.mulf %get3A_149, %mul3A_136 : vector<16xf32>
        %swap3A_151 = arith.index_cast %scan3A_98 : i32 to index
        %swap3A_152 = arith.constant 16 : index
        %swap3A_153 = tpu.vector_load %arg11[%swap3A_151, %swap3A_152] {strides = array<i32>} : memref<64x128xf32, #tpu.memory_space<vmem>>, vector<1x16xf32>,
        %swap3A_154 = vector.shape_cast %swap3A_153 : vector<1x16xf32> to vector<16xf32>
        %swap3A_155 = vector.shape_cast %mul3A_150 : vector<16xf32> to vector<1x16xf32>
        tpu.vector_store %arg11[%swap3A_151, %swap3A_152], %swap3A_155 {strides = array<i32>} : memref<64x128xf32, #tpu.memory_space<vmem>>, vector<1x16xf32>,
        %get3A_156 = arith.index_cast %scan3A_98 : i32 to index
        %get3A_157 = arith.constant 32 : index
        %get3A_158 = tpu.vector_load %arg11[%get3A_156, %get3A_157] {strides = array<i32>} : memref<64x128xf32, #tpu.memory_space<vmem>>, vector<1x16xf32>,
        %get3A_159 = vector.shape_cast %get3A_158 : vector<1x16xf32> to vector<16xf32>
        %mul3A_160 = arith.mulf %get3A_159, %mul3A_136 : vector<16xf32>
        %swap3A_161 = arith.index_cast %scan3A_98 : i32 to index
        %swap3A_162 = arith.constant 32 : index
        %swap3A_163 = tpu.vector_load %arg11[%swap3A_161, %swap3A_162] {strides = array<i32>} : memref<64x128xf32, #tpu.memory_space<vmem>>, vector<1x16xf32>,
        %swap3A_164 = vector.shape_cast %swap3A_163 : vector<1x16xf32> to vector<16xf32>
        %swap3A_165 = vector.shape_cast %mul3A_160 : vector<16xf32> to vector<1x16xf32>
        tpu.vector_store %arg11[%swap3A_161, %swap3A_162], %swap3A_165 {strides = array<i32>} : memref<64x128xf32, #tpu.memory_space<vmem>>, vector<1x16xf32>,
        %get3A_166 = arith.index_cast %scan3A_98 : i32 to index
        %get3A_167 = arith.constant 48 : index
        %get3A_168 = tpu.vector_load %arg11[%get3A_166, %get3A_167] {strides = array<i32>} : memref<64x128xf32, #tpu.memory_space<vmem>>, vector<1x16xf32>,
        %get3A_169 = vector.shape_cast %get3A_168 : vector<1x16xf32> to vector<16xf32>
        %mul3A_170 = arith.mulf %get3A_169, %mul3A_136 : vector<16xf32>
        %swap3A_171 = arith.index_cast %scan3A_98 : i32 to index
        %swap3A_172 = arith.constant 48 : index
        %swap3A_173 = tpu.vector_load %arg11[%swap3A_171, %swap3A_172] {strides = array<i32>} : memref<64x128xf32, #tpu.memory_space<vmem>>, vector<1x16xf32>,
        %swap3A_174 = vector.shape_cast %swap3A_173 : vector<1x16xf32> to vector<16xf32>
        %swap3A_175 = vector.shape_cast %mul3A_170 : vector<16xf32> to vector<1x16xf32>
        tpu.vector_store %arg11[%swap3A_171, %swap3A_172], %swap3A_175 {strides = array<i32>} : memref<64x128xf32, #tpu.memory_space<vmem>>, vector<1x16xf32>,
        %get3A_176 = arith.index_cast %scan3A_98 : i32 to index
        %get3A_177 = arith.constant 64 : index
        %get3A_178 = tpu.vector_load %arg11[%get3A_176, %get3A_177] {strides = array<i32>} : memref<64x128xf32, #tpu.memory_space<vmem>>, vector<1x16xf32>,
        %get3A_179 = vector.shape_cast %get3A_178 : vector<1x16xf32> to vector<16xf32>
        %mul3A_180 = arith.mulf %get3A_179, %mul3A_136 : vector<16xf32>
        %swap3A_181 = arith.index_cast %scan3A_98 : i32 to index
        %swap3A_182 = arith.constant 64 : index
        %swap3A_183 = tpu.vector_load %arg11[%swap3A_181, %swap3A_182] {strides = array<i32>} : memref<64x128xf32, #tpu.memory_space<vmem>>, vector<1x16xf32>,
        %swap3A_184 = vector.shape_cast %swap3A_183 : vector<1x16xf32> to vector<16xf32>
        %swap3A_185 = vector.shape_cast %mul3A_180 : vector<16xf32> to vector<1x16xf32>
        tpu.vector_store %arg11[%swap3A_181, %swap3A_182], %swap3A_185 {strides = array<i32>} : memref<64x128xf32, #tpu.memory_space<vmem>>, vector<1x16xf32>,
        %get3A_186 = arith.index_cast %scan3A_98 : i32 to index
        %get3A_187 = arith.constant 80 : index
        %get3A_188 = tpu.vector_load %arg11[%get3A_186, %get3A_187] {strides = array<i32>} : memref<64x128xf32, #tpu.memory_space<vmem>>, vector<1x16xf32>,
        %get3A_189 = vector.shape_cast %get3A_188 : vector<1x16xf32> to vector<16xf32>
        %mul3A_190 = arith.mulf %get3A_189, %mul3A_136 : vector<16xf32>
        %swap3A_191 = arith.index_cast %scan3A_98 : i32 to index
        %swap3A_192 = arith.constant 80 : index
        %swap3A_193 = tpu.vector_load %arg11[%swap3A_191, %swap3A_192] {strides = array<i32>} : memref<64x128xf32, #tpu.memory_space<vmem>>, vector<1x16xf32>,
        %swap3A_194 = vector.shape_cast %swap3A_193 : vector<1x16xf32> to vector<16xf32>
        %swap3A_195 = vector.shape_cast %mul3A_190 : vector<16xf32> to vector<1x16xf32>
        tpu.vector_store %arg11[%swap3A_191, %swap3A_192], %swap3A_195 {strides = array<i32>} : memref<64x128xf32, #tpu.memory_space<vmem>>, vector<1x16xf32>,
        %swap3A_196 = arith.index_cast %scan3A_98 : i32 to index
        %swap3A_197 = arith.constant 96 : index
        %swap3A_198 = tpu.vector_load %arg11[%swap3A_196, %swap3A_197] {strides = array<i32>} : memref<64x128xf32, #tpu.memory_space<vmem>>, vector<1x16xf32>,
        %swap3A_199 = vector.shape_cast %swap3A_198 : vector<1x16xf32> to vector<16xf32>
        %swap3A_200 = vector.shape_cast %mul3A_136 : vector<16xf32> to vector<1x16xf32>
        tpu.vector_store %arg11[%swap3A_196, %swap3A_197], %swap3A_200 {strides = array<i32>} : memref<64x128xf32, #tpu.memory_space<vmem>>, vector<1x16xf32>,
      }
      %scan3A_90 = arith.constant 64 : i32
      %add3A_91 = arith.addi %mul3A_2, %mul3A_0 : i32
      %mul3A_92 = arith.constant 64 : i32
      %mul3A_93 = arith.muli %scan3A_78, %mul3A_92 : i32
      %add3A_94 = arith.addi %add3A_91, %mul3A_93 : i32
      "tpu.region"() ({
        %run_scoped3A = tpu.sem_alloc : memref<!tpu.dma_semaphore, #tpu.memory_space<semaphore_mem>>
        %dma_start3A = arith.constant 0 : i32
        %dma_start3A_98 = tpu.memref_slice %arg7[%add3A_94, %dma_start3A] : memref<20480x128xf32, #tpu.memory_space<hbm>> -> memref<64x128xf32, #tpu.memory_space<hbm>>
        %dma_start3A_99 = arith.constant 0 : i32
        %dma_start3A_100 = tpu.memref_slice %arg7[%add3A_94, %dma_start3A_99] : memref<20480x128xf32, #tpu.memory_space<hbm>> -> memref<64x128xf32, #tpu.memory_space<hbm>>
        tpu.enqueue_dma source(%arg11 : memref<64x128xf32, #tpu.memory_space<vmem>>) target(%dma_start3A_100 : memref<64x128xf32, #tpu.memory_space<hbm>>) target_semaphore(%run_scoped3A : memref<!tpu.dma_semaphore, #tpu.memory_space<semaphore_mem>>)
        %dma_wait3A = arith.constant 0 : i32
        %dma_wait3A_101 = tpu.memref_slice %arg7[%add3A_94, %dma_wait3A] : memref<20480x128xf32, #tpu.memory_space<hbm>> -> memref<64x128xf32, #tpu.memory_space<hbm>>
        %dma_wait3A_102 = arith.constant 0 : i32
        %dma_wait3A_103 = tpu.memref_slice %arg7[%add3A_94, %dma_wait3A_102] : memref<20480x128xf32, #tpu.memory_space<hbm>> -> memref<64x128xf32, #tpu.memory_space<hbm>>
        tpu.wait_dma2 semaphore(%run_scoped3A : memref<!tpu.dma_semaphore, #tpu.memory_space<semaphore_mem>>) src(%arg11 : memref<64x128xf32, #tpu.memory_space<vmem>>) dst(%dma_wait3A_103 : memref<64x128xf32, #tpu.memory_space<hbm>>)
        tpu.yield
      }) : () -> ()
      %mul3A_95 = arith.constant 64 : i32
      %mul3A_96 = arith.muli %scan3A_78, %mul3A_95 : i32
      %add3A_97 = arith.addi %mul3A_0, %mul3A_96 : i32
      "tpu.region"() ({
        %run_scoped3A = tpu.sem_alloc : memref<!tpu.dma_semaphore, #tpu.memory_space<semaphore_mem>>
        %dma_start3A = arith.constant 0 : i32
        %dma_start3A_98 = tpu.memref_slice %arg15[%add3A_97, %dma_start3A] : memref<10240x128xf32, #tpu.memory_space<vmem_shared>> -> memref<64x128xf32, #tpu.memory_space<vmem_shared>>
        %dma_start3A_99 = arith.constant 0 : i32
        %dma_start3A_100 = tpu.memref_slice %arg15[%add3A_97, %dma_start3A_99] : memref<10240x128xf32, #tpu.memory_space<vmem_shared>> -> memref<64x128xf32, #tpu.memory_space<vmem_shared>>
        tpu.enqueue_dma source(%arg14 : memref<64x128xf32, #tpu.memory_space<vmem>>) target(%dma_start3A_100 : memref<64x128xf32, #tpu.memory_space<vmem_shared>>) target_semaphore(%run_scoped3A : memref<!tpu.dma_semaphore, #tpu.memory_space<semaphore_mem>>)
        %dma_wait3A = arith.constant 0 : i32
        %dma_wait3A_101 = tpu.memref_slice %arg15[%add3A_97, %dma_wait3A] : memref<10240x128xf32, #tpu.memory_space<vmem_shared>> -> memref<64x128xf32, #tpu.memory_space<vmem_shared>>
        %dma_wait3A_102 = arith.constant 0 : i32
        %dma_wait3A_103 = tpu.memref_slice %arg15[%add3A_97, %dma_wait3A_102] : memref<10240x128xf32, #tpu.memory_space<vmem_shared>> -> memref<64x128xf32, #tpu.memory_space<vmem_shared>>
        tpu.wait_dma2 semaphore(%run_scoped3A : memref<!tpu.dma_semaphore, #tpu.memory_space<semaphore_mem>>) src(%arg14 : memref<64x128xf32, #tpu.memory_space<vmem>>) dst(%dma_wait3A_103 : memref<64x128xf32, #tpu.memory_space<vmem_shared>>)
        tpu.yield
      }) : () -> ()
    }
    %scan3A_45 = arith.constant 10 : i32
    %barrier3A_46 = arith.constant 0 : index
    tpu.barrier barrier_id(%barrier3A_46)
    %while3A_47 = arith.constant 0 : i32
    %while3A_48 = arith.constant 0 : i32
    %while3A_49 = arith.subi %add3A_12, %while3A_48 : i32
    %while3A_50 = arith.addi %while3A_48, %while3A_49 : i32
    %while3A_51 = arith.constant 1 : i32
    %while3A_52 = arith.divsi %while3A_49, %while3A_51 : i32
    %while3A_53 = arith.muli %while3A_52, %while3A_51 : i32
    %while3A_54 = arith.addi %while3A_48, %while3A_53 : i32
    %while3A_55 = arith.constant 1 : i32
    scf.for %while3A_78 = %while3A_48 to %while3A_54 step %while3A_55  : i32 {
      %add3A_79 = arith.addi %add3A, %while3A_78 : i32
      "tpu.region"() ({
        %run_scoped3A = tpu.sem_alloc : memref<!tpu.dma_semaphore, #tpu.memory_space<semaphore_mem>>
        %dma_start3A_91 = arith.constant 0 : i32
        %dma_start3A_92 = tpu.memref_slice %arg3[%add3A_79, %dma_start3A_91] : memref<2500x128xi32, #tpu.memory_space<hbm>> -> memref<1x128xi32, #tpu.memory_space<hbm>>
        %dma_start3A_93 = tpu.memref_squeeze %dma_start3A_92 : memref<1x128xi32, #tpu.memory_space<hbm>> -> memref<128xi32, #tpu.memory_space<hbm>>
        %dma_start3A_94 = arith.constant 0 : i32
        %dma_start3A_95 = tpu.memref_slice %arg3[%add3A_79, %dma_start3A_94] : memref<2500x128xi32, #tpu.memory_space<hbm>> -> memref<1x128xi32, #tpu.memory_space<hbm>>
        %dma_start3A_96 = tpu.memref_squeeze %dma_start3A_95 : memref<1x128xi32, #tpu.memory_space<hbm>> -> memref<128xi32, #tpu.memory_space<hbm>>
        tpu.enqueue_dma source(%dma_start3A_96 : memref<128xi32, #tpu.memory_space<hbm>>) target(%arg8 : memref<128xi32, #tpu.memory_space<vmem>>) target_semaphore(%run_scoped3A : memref<!tpu.dma_semaphore, #tpu.memory_space<semaphore_mem>>)
        %dma_wait3A_97 = arith.constant 0 : i32
        %dma_wait3A_98 = tpu.memref_slice %arg3[%add3A_79, %dma_wait3A_97] : memref<2500x128xi32, #tpu.memory_space<hbm>> -> memref<1x128xi32, #tpu.memory_space<hbm>>
        %dma_wait3A_99 = tpu.memref_squeeze %dma_wait3A_98 : memref<1x128xi32, #tpu.memory_space<hbm>> -> memref<128xi32, #tpu.memory_space<hbm>>
        %dma_wait3A_100 = arith.constant 0 : i32
        %dma_wait3A_101 = tpu.memref_slice %arg3[%add3A_79, %dma_wait3A_100] : memref<2500x128xi32, #tpu.memory_space<hbm>> -> memref<1x128xi32, #tpu.memory_space<hbm>>
        %dma_wait3A_102 = tpu.memref_squeeze %dma_wait3A_101 : memref<1x128xi32, #tpu.memory_space<hbm>> -> memref<128xi32, #tpu.memory_space<hbm>>
        tpu.wait_dma2 semaphore(%run_scoped3A : memref<!tpu.dma_semaphore, #tpu.memory_space<semaphore_mem>>) src(%dma_wait3A_102 : memref<128xi32, #tpu.memory_space<hbm>>) dst(%arg8 : memref<128xi32, #tpu.memory_space<vmem>>)
        tpu.yield
      }) : () -> ()
      %add3A_80 = arith.addi %add3A, %while3A_78 : i32
      "tpu.region"() ({
        %run_scoped3A = tpu.sem_alloc : memref<!tpu.dma_semaphore, #tpu.memory_space<semaphore_mem>>
        %dma_start3A_91 = arith.constant 0 : i32
        %dma_start3A_92 = tpu.memref_slice %arg4[%add3A_80, %dma_start3A_91] : memref<2500x128xi32, #tpu.memory_space<hbm>> -> memref<1x128xi32, #tpu.memory_space<hbm>>
        %dma_start3A_93 = tpu.memref_squeeze %dma_start3A_92 : memref<1x128xi32, #tpu.memory_space<hbm>> -> memref<128xi32, #tpu.memory_space<hbm>>
        %dma_start3A_94 = arith.constant 0 : i32
        %dma_start3A_95 = tpu.memref_slice %arg4[%add3A_80, %dma_start3A_94] : memref<2500x128xi32, #tpu.memory_space<hbm>> -> memref<1x128xi32, #tpu.memory_space<hbm>>
        %dma_start3A_96 = tpu.memref_squeeze %dma_start3A_95 : memref<1x128xi32, #tpu.memory_space<hbm>> -> memref<128xi32, #tpu.memory_space<hbm>>
        tpu.enqueue_dma source(%dma_start3A_96 : memref<128xi32, #tpu.memory_space<hbm>>) target(%arg9 : memref<128xi32, #tpu.memory_space<vmem>>) target_semaphore(%run_scoped3A : memref<!tpu.dma_semaphore, #tpu.memory_space<semaphore_mem>>)
        %dma_wait3A_97 = arith.constant 0 : i32
        %dma_wait3A_98 = tpu.memref_slice %arg4[%add3A_80, %dma_wait3A_97] : memref<2500x128xi32, #tpu.memory_space<hbm>> -> memref<1x128xi32, #tpu.memory_space<hbm>>
        %dma_wait3A_99 = tpu.memref_squeeze %dma_wait3A_98 : memref<1x128xi32, #tpu.memory_space<hbm>> -> memref<128xi32, #tpu.memory_space<hbm>>
        %dma_wait3A_100 = arith.constant 0 : i32
        %dma_wait3A_101 = tpu.memref_slice %arg4[%add3A_80, %dma_wait3A_100] : memref<2500x128xi32, #tpu.memory_space<hbm>> -> memref<1x128xi32, #tpu.memory_space<hbm>>
        %dma_wait3A_102 = tpu.memref_squeeze %dma_wait3A_101 : memref<1x128xi32, #tpu.memory_space<hbm>> -> memref<128xi32, #tpu.memory_space<hbm>>
        tpu.wait_dma2 semaphore(%run_scoped3A : memref<!tpu.dma_semaphore, #tpu.memory_space<semaphore_mem>>) src(%dma_wait3A_102 : memref<128xi32, #tpu.memory_space<hbm>>) dst(%arg9 : memref<128xi32, #tpu.memory_space<vmem>>)
        tpu.yield
      }) : () -> ()
      %scan3A_81 = arith.constant 0 : i32
      %scan3A_82 = arith.constant 0 : i32
      %scan3A_83 = arith.constant 8 : i32
      %scan3A_84 = arith.addi %scan3A_82, %scan3A_83 : i32
      %scan3A_85 = arith.constant 1 : i32
      scf.for %scan3A_91 = %scan3A_82 to %scan3A_84 step %scan3A_85  : i32 {
        %mul3A_92 = arith.constant 16 : i32
        %mul3A_93 = arith.muli %scan3A_91, %mul3A_92 : i32
        %get3A = arith.index_cast %mul3A_93 : i32 to index
        %get3A_94 = tpu.vector_load %arg8[%get3A] {strides = array<i32>} : memref<128xi32, #tpu.memory_space<vmem>>, vector<16xi32>,
        %get3A_95 = vector.shape_cast %get3A_94 : vector<16xi32> to vector<16xi32>
        %add3A_96 = vector.broadcast %mul3A_2 : i32 to vector<16xi32>
        %add3A_97 = arith.addi %get3A_95, %add3A_96 : vector<16xi32>
        %mul3A_98 = arith.constant 16 : i32
        %mul3A_99 = arith.muli %scan3A_91, %mul3A_98 : i32
        %swap3A = arith.index_cast %mul3A_99 : i32 to index
        %swap3A_100 = tpu.vector_load %arg8[%swap3A] {strides = array<i32>} : memref<128xi32, #tpu.memory_space<vmem>>, vector<16xi32>,
        %swap3A_101 = vector.shape_cast %swap3A_100 : vector<16xi32> to vector<16xi32>
        %swap3A_102 = vector.shape_cast %add3A_97 : vector<16xi32> to vector<16xi32>
        tpu.vector_store %arg8[%swap3A], %swap3A_102 {strides = array<i32>} : memref<128xi32, #tpu.memory_space<vmem>>, vector<16xi32>,
      }
      %scan3A_86 = arith.constant 8 : i32
      %dma_start3A = arith.constant 0 : i32
      %dma_start3A_87 = arith.constant 0 : i32
      %dma_start3A_88 = tpu.memref_slice %arg7[%dma_start3A, %dma_start3A_87] : memref<20480x128xf32, #tpu.memory_space<hbm>> -> memref<20480x128xf32, #tpu.memory_space<hbm>>
      tpu.enqueue_indirect_dma source(%dma_start3A_88 : memref<20480x128xf32, #tpu.memory_space<hbm>>) target(%arg10 : memref<128x128xf32, #tpu.memory_space<vmem>>) offsets(%arg8 : memref<128xi32, #tpu.memory_space<vmem>>) semaphore(%arg16 : memref<!tpu.dma_semaphore, #tpu.memory_space<semaphore_mem>>)
      %dma_wait3A = arith.constant 0 : i32
      %dma_wait3A_89 = arith.constant 0 : i32
      %dma_wait3A_90 = tpu.memref_slice %arg7[%dma_wait3A, %dma_wait3A_89] : memref<20480x128xf32, #tpu.memory_space<hbm>> -> memref<20480x128xf32, #tpu.memory_space<hbm>>
      tpu.wait_indirect_dma semaphore(%arg16 : memref<!tpu.dma_semaphore, #tpu.memory_space<semaphore_mem>>) src(%dma_wait3A_90 : memref<20480x128xf32, #tpu.memory_space<hbm>>) dst(%arg10 : memref<128x128xf32, #tpu.memory_space<vmem>>)
      "tpu.region"() ({
        %run_scoped3A = tpu.sem_alloc : memref<!tpu.dma_semaphore, #tpu.memory_space<semaphore_mem>>
        %dma_start3A_91 = arith.constant 0 : i32
        %dma_start3A_92 = arith.constant 0 : i32
        %dma_start3A_93 = tpu.memref_slice %arg15[%dma_start3A_91, %dma_start3A_92] : memref<10240x128xf32, #tpu.memory_space<vmem_shared>> -> memref<10240x128xf32, #tpu.memory_space<vmem_shared>>
        tpu.enqueue_indirect_dma source(%arg10 : memref<128x128xf32, #tpu.memory_space<vmem>>) target(%dma_start3A_93 : memref<10240x128xf32, #tpu.memory_space<vmem_shared>>) offsets(%arg9 : memref<128xi32, #tpu.memory_space<vmem>>) semaphore(%run_scoped3A : memref<!tpu.dma_semaphore, #tpu.memory_space<semaphore_mem>>) {add = true}
        %dma_wait3A_94 = arith.constant 0 : i32
        %dma_wait3A_95 = arith.constant 0 : i32
        %dma_wait3A_96 = tpu.memref_slice %arg15[%dma_wait3A_94, %dma_wait3A_95] : memref<10240x128xf32, #tpu.memory_space<vmem_shared>> -> memref<10240x128xf32, #tpu.memory_space<vmem_shared>>
        tpu.wait_indirect_dma semaphore(%run_scoped3A : memref<!tpu.dma_semaphore, #tpu.memory_space<semaphore_mem>>) src(%arg10 : memref<128x128xf32, #tpu.memory_space<vmem>>) dst(%dma_wait3A_96 : memref<10240x128xf32, #tpu.memory_space<vmem_shared>>)
        tpu.yield
      }) : () -> ()
    }
    %while3A_56 = arith.constant 1 : i32
    scf.for %while3A_78 = %while3A_54 to %while3A_50 step %while3A_56  : i32 {
      %add3A_79 = arith.addi %add3A, %while3A_78 : i32
      "tpu.region"() ({
        %run_scoped3A = tpu.sem_alloc : memref<!tpu.dma_semaphore, #tpu.memory_space<semaphore_mem>>
        %dma_start3A_91 = arith.constant 0 : i32
        %dma_start3A_92 = tpu.memref_slice %arg3[%add3A_79, %dma_start3A_91] : memref<2500x128xi32, #tpu.memory_space<hbm>> -> memref<1x128xi32, #tpu.memory_space<hbm>>
        %dma_start3A_93 = tpu.memref_squeeze %dma_start3A_92 : memref<1x128xi32, #tpu.memory_space<hbm>> -> memref<128xi32, #tpu.memory_space<hbm>>
        %dma_start3A_94 = arith.constant 0 : i32
        %dma_start3A_95 = tpu.memref_slice %arg3[%add3A_79, %dma_start3A_94] : memref<2500x128xi32, #tpu.memory_space<hbm>> -> memref<1x128xi32, #tpu.memory_space<hbm>>
        %dma_start3A_96 = tpu.memref_squeeze %dma_start3A_95 : memref<1x128xi32, #tpu.memory_space<hbm>> -> memref<128xi32, #tpu.memory_space<hbm>>
        tpu.enqueue_dma source(%dma_start3A_96 : memref<128xi32, #tpu.memory_space<hbm>>) target(%arg8 : memref<128xi32, #tpu.memory_space<vmem>>) target_semaphore(%run_scoped3A : memref<!tpu.dma_semaphore, #tpu.memory_space<semaphore_mem>>)
        %dma_wait3A_97 = arith.constant 0 : i32
        %dma_wait3A_98 = tpu.memref_slice %arg3[%add3A_79, %dma_wait3A_97] : memref<2500x128xi32, #tpu.memory_space<hbm>> -> memref<1x128xi32, #tpu.memory_space<hbm>>
        %dma_wait3A_99 = tpu.memref_squeeze %dma_wait3A_98 : memref<1x128xi32, #tpu.memory_space<hbm>> -> memref<128xi32, #tpu.memory_space<hbm>>
        %dma_wait3A_100 = arith.constant 0 : i32
        %dma_wait3A_101 = tpu.memref_slice %arg3[%add3A_79, %dma_wait3A_100] : memref<2500x128xi32, #tpu.memory_space<hbm>> -> memref<1x128xi32, #tpu.memory_space<hbm>>
        %dma_wait3A_102 = tpu.memref_squeeze %dma_wait3A_101 : memref<1x128xi32, #tpu.memory_space<hbm>> -> memref<128xi32, #tpu.memory_space<hbm>>
        tpu.wait_dma2 semaphore(%run_scoped3A : memref<!tpu.dma_semaphore, #tpu.memory_space<semaphore_mem>>) src(%dma_wait3A_102 : memref<128xi32, #tpu.memory_space<hbm>>) dst(%arg8 : memref<128xi32, #tpu.memory_space<vmem>>)
        tpu.yield
      }) : () -> ()
      %add3A_80 = arith.addi %add3A, %while3A_78 : i32
      "tpu.region"() ({
        %run_scoped3A = tpu.sem_alloc : memref<!tpu.dma_semaphore, #tpu.memory_space<semaphore_mem>>
        %dma_start3A_91 = arith.constant 0 : i32
        %dma_start3A_92 = tpu.memref_slice %arg4[%add3A_80, %dma_start3A_91] : memref<2500x128xi32, #tpu.memory_space<hbm>> -> memref<1x128xi32, #tpu.memory_space<hbm>>
        %dma_start3A_93 = tpu.memref_squeeze %dma_start3A_92 : memref<1x128xi32, #tpu.memory_space<hbm>> -> memref<128xi32, #tpu.memory_space<hbm>>
        %dma_start3A_94 = arith.constant 0 : i32
        %dma_start3A_95 = tpu.memref_slice %arg4[%add3A_80, %dma_start3A_94] : memref<2500x128xi32, #tpu.memory_space<hbm>> -> memref<1x128xi32, #tpu.memory_space<hbm>>
        %dma_start3A_96 = tpu.memref_squeeze %dma_start3A_95 : memref<1x128xi32, #tpu.memory_space<hbm>> -> memref<128xi32, #tpu.memory_space<hbm>>
        tpu.enqueue_dma source(%dma_start3A_96 : memref<128xi32, #tpu.memory_space<hbm>>) target(%arg9 : memref<128xi32, #tpu.memory_space<vmem>>) target_semaphore(%run_scoped3A : memref<!tpu.dma_semaphore, #tpu.memory_space<semaphore_mem>>)
        %dma_wait3A_97 = arith.constant 0 : i32
        %dma_wait3A_98 = tpu.memref_slice %arg4[%add3A_80, %dma_wait3A_97] : memref<2500x128xi32, #tpu.memory_space<hbm>> -> memref<1x128xi32, #tpu.memory_space<hbm>>
        %dma_wait3A_99 = tpu.memref_squeeze %dma_wait3A_98 : memref<1x128xi32, #tpu.memory_space<hbm>> -> memref<128xi32, #tpu.memory_space<hbm>>
        %dma_wait3A_100 = arith.constant 0 : i32
        %dma_wait3A_101 = tpu.memref_slice %arg4[%add3A_80, %dma_wait3A_100] : memref<2500x128xi32, #tpu.memory_space<hbm>> -> memref<1x128xi32, #tpu.memory_space<hbm>>
        %dma_wait3A_102 = tpu.memref_squeeze %dma_wait3A_101 : memref<1x128xi32, #tpu.memory_space<hbm>> -> memref<128xi32, #tpu.memory_space<hbm>>
        tpu.wait_dma2 semaphore(%run_scoped3A : memref<!tpu.dma_semaphore, #tpu.memory_space<semaphore_mem>>) src(%dma_wait3A_102 : memref<128xi32, #tpu.memory_space<hbm>>) dst(%arg9 : memref<128xi32, #tpu.memory_space<vmem>>)
        tpu.yield
      }) : () -> ()
      %scan3A_81 = arith.constant 0 : i32
      %scan3A_82 = arith.constant 0 : i32
      %scan3A_83 = arith.constant 8 : i32
      %scan3A_84 = arith.addi %scan3A_82, %scan3A_83 : i32
      %scan3A_85 = arith.constant 1 : i32
      scf.for %scan3A_91 = %scan3A_82 to %scan3A_84 step %scan3A_85  : i32 {
        %mul3A_92 = arith.constant 16 : i32
        %mul3A_93 = arith.muli %scan3A_91, %mul3A_92 : i32
        %get3A = arith.index_cast %mul3A_93 : i32 to index
        %get3A_94 = tpu.vector_load %arg8[%get3A] {strides = array<i32>} : memref<128xi32, #tpu.memory_space<vmem>>, vector<16xi32>,
        %get3A_95 = vector.shape_cast %get3A_94 : vector<16xi32> to vector<16xi32>
        %add3A_96 = vector.broadcast %mul3A_2 : i32 to vector<16xi32>
        %add3A_97 = arith.addi %get3A_95, %add3A_96 : vector<16xi32>
        %mul3A_98 = arith.constant 16 : i32
        %mul3A_99 = arith.muli %scan3A_91, %mul3A_98 : i32
        %swap3A = arith.index_cast %mul3A_99 : i32 to index
        %swap3A_100 = tpu.vector_load %arg8[%swap3A] {strides = array<i32>} : memref<128xi32, #tpu.memory_space<vmem>>, vector<16xi32>,
        %swap3A_101 = vector.shape_cast %swap3A_100 : vector<16xi32> to vector<16xi32>
        %swap3A_102 = vector.shape_cast %add3A_97 : vector<16xi32> to vector<16xi32>
        tpu.vector_store %arg8[%swap3A], %swap3A_102 {strides = array<i32>} : memref<128xi32, #tpu.memory_space<vmem>>, vector<16xi32>,
      }
      %scan3A_86 = arith.constant 8 : i32
      %dma_start3A = arith.constant 0 : i32
      %dma_start3A_87 = arith.constant 0 : i32
      %dma_start3A_88 = tpu.memref_slice %arg7[%dma_start3A, %dma_start3A_87] : memref<20480x128xf32, #tpu.memory_space<hbm>> -> memref<20480x128xf32, #tpu.memory_space<hbm>>
      tpu.enqueue_indirect_dma source(%dma_start3A_88 : memref<20480x128xf32, #tpu.memory_space<hbm>>) target(%arg10 : memref<128x128xf32, #tpu.memory_space<vmem>>) offsets(%arg8 : memref<128xi32, #tpu.memory_space<vmem>>) semaphore(%arg16 : memref<!tpu.dma_semaphore, #tpu.memory_space<semaphore_mem>>)
      %dma_wait3A = arith.constant 0 : i32
      %dma_wait3A_89 = arith.constant 0 : i32
      %dma_wait3A_90 = tpu.memref_slice %arg7[%dma_wait3A, %dma_wait3A_89] : memref<20480x128xf32, #tpu.memory_space<hbm>> -> memref<20480x128xf32, #tpu.memory_space<hbm>>
      tpu.wait_indirect_dma semaphore(%arg16 : memref<!tpu.dma_semaphore, #tpu.memory_space<semaphore_mem>>) src(%dma_wait3A_90 : memref<20480x128xf32, #tpu.memory_space<hbm>>) dst(%arg10 : memref<128x128xf32, #tpu.memory_space<vmem>>)
      "tpu.region"() ({
        %run_scoped3A = tpu.sem_alloc : memref<!tpu.dma_semaphore, #tpu.memory_space<semaphore_mem>>
        %dma_start3A_91 = arith.constant 0 : i32
        %dma_start3A_92 = arith.constant 0 : i32
        %dma_start3A_93 = tpu.memref_slice %arg15[%dma_start3A_91, %dma_start3A_92] : memref<10240x128xf32, #tpu.memory_space<vmem_shared>> -> memref<10240x128xf32, #tpu.memory_space<vmem_shared>>
        tpu.enqueue_indirect_dma source(%arg10 : memref<128x128xf32, #tpu.memory_space<vmem>>) target(%dma_start3A_93 : memref<10240x128xf32, #tpu.memory_space<vmem_shared>>) offsets(%arg9 : memref<128xi32, #tpu.memory_space<vmem>>) semaphore(%run_scoped3A : memref<!tpu.dma_semaphore, #tpu.memory_space<semaphore_mem>>) {add = true}
        %dma_wait3A_94 = arith.constant 0 : i32
        %dma_wait3A_95 = arith.constant 0 : i32
        %dma_wait3A_96 = tpu.memref_slice %arg15[%dma_wait3A_94, %dma_wait3A_95] : memref<10240x128xf32, #tpu.memory_space<vmem_shared>> -> memref<10240x128xf32, #tpu.memory_space<vmem_shared>>
        tpu.wait_indirect_dma semaphore(%run_scoped3A : memref<!tpu.dma_semaphore, #tpu.memory_space<semaphore_mem>>) src(%arg10 : memref<128x128xf32, #tpu.memory_space<vmem>>) dst(%dma_wait3A_96 : memref<10240x128xf32, #tpu.memory_space<vmem_shared>>)
        tpu.yield
      }) : () -> ()
    }
    %barrier3A_57 = arith.constant 0 : index
    tpu.barrier barrier_id(%barrier3A_57)
    %scan3A_58 = arith.constant 0 : i32
    %scan3A_59 = arith.constant 0 : i32
    %scan3A_60 = arith.constant 10 : i32
    %scan3A_61 = arith.addi %scan3A_59, %scan3A_60 : i32
    %scan3A_62 = arith.constant 1 : i32
    scf.for %scan3A_78 = %scan3A_59 to %scan3A_61 step %scan3A_62  : i32 {
      %mul3A_79 = arith.constant 64 : i32
      %mul3A_80 = arith.muli %scan3A_78, %mul3A_79 : i32
      %add3A_81 = arith.addi %mul3A_0, %mul3A_80 : i32
      "tpu.region"() ({
        %run_scoped3A = tpu.sem_alloc : memref<!tpu.dma_semaphore, #tpu.memory_space<semaphore_mem>>
        %dma_start3A = arith.constant 0 : i32
        %dma_start3A_99 = tpu.memref_slice %arg15[%add3A_81, %dma_start3A] : memref<10240x128xf32, #tpu.memory_space<vmem_shared>> -> memref<64x128xf32, #tpu.memory_space<vmem_shared>>
        %dma_start3A_100 = arith.constant 0 : i32
        %dma_start3A_101 = tpu.memref_slice %arg15[%add3A_81, %dma_start3A_100] : memref<10240x128xf32, #tpu.memory_space<vmem_shared>> -> memref<64x128xf32, #tpu.memory_space<vmem_shared>>
        tpu.enqueue_dma source(%dma_start3A_101 : memref<64x128xf32, #tpu.memory_space<vmem_shared>>) target(%arg11 : memref<64x128xf32, #tpu.memory_space<vmem>>) target_semaphore(%run_scoped3A : memref<!tpu.dma_semaphore, #tpu.memory_space<semaphore_mem>>)
        %dma_wait3A = arith.constant 0 : i32
        %dma_wait3A_102 = tpu.memref_slice %arg15[%add3A_81, %dma_wait3A] : memref<10240x128xf32, #tpu.memory_space<vmem_shared>> -> memref<64x128xf32, #tpu.memory_space<vmem_shared>>
        %dma_wait3A_103 = arith.constant 0 : i32
        %dma_wait3A_104 = tpu.memref_slice %arg15[%add3A_81, %dma_wait3A_103] : memref<10240x128xf32, #tpu.memory_space<vmem_shared>> -> memref<64x128xf32, #tpu.memory_space<vmem_shared>>
        tpu.wait_dma2 semaphore(%run_scoped3A : memref<!tpu.dma_semaphore, #tpu.memory_space<semaphore_mem>>) src(%dma_wait3A_104 : memref<64x128xf32, #tpu.memory_space<vmem_shared>>) dst(%arg11 : memref<64x128xf32, #tpu.memory_space<vmem>>)
        tpu.yield
      }) : () -> ()
      %add3A_82 = arith.addi %mul3A_2, %mul3A_0 : i32
      %mul3A_83 = arith.constant 64 : i32
      %mul3A_84 = arith.muli %scan3A_78, %mul3A_83 : i32
      %add3A_85 = arith.addi %add3A_82, %mul3A_84 : i32
      "tpu.region"() ({
        %run_scoped3A = tpu.sem_alloc : memref<!tpu.dma_semaphore, #tpu.memory_space<semaphore_mem>>
        %dma_start3A = arith.constant 0 : i32
        %dma_start3A_99 = tpu.memref_slice %arg7[%add3A_85, %dma_start3A] : memref<20480x128xf32, #tpu.memory_space<hbm>> -> memref<64x128xf32, #tpu.memory_space<hbm>>
        %dma_start3A_100 = arith.constant 0 : i32
        %dma_start3A_101 = tpu.memref_slice %arg7[%add3A_85, %dma_start3A_100] : memref<20480x128xf32, #tpu.memory_space<hbm>> -> memref<64x128xf32, #tpu.memory_space<hbm>>
        tpu.enqueue_dma source(%dma_start3A_101 : memref<64x128xf32, #tpu.memory_space<hbm>>) target(%arg12 : memref<64x128xf32, #tpu.memory_space<vmem>>) target_semaphore(%run_scoped3A : memref<!tpu.dma_semaphore, #tpu.memory_space<semaphore_mem>>)
        %dma_wait3A = arith.constant 0 : i32
        %dma_wait3A_102 = tpu.memref_slice %arg7[%add3A_85, %dma_wait3A] : memref<20480x128xf32, #tpu.memory_space<hbm>> -> memref<64x128xf32, #tpu.memory_space<hbm>>
        %dma_wait3A_103 = arith.constant 0 : i32
        %dma_wait3A_104 = tpu.memref_slice %arg7[%add3A_85, %dma_wait3A_103] : memref<20480x128xf32, #tpu.memory_space<hbm>> -> memref<64x128xf32, #tpu.memory_space<hbm>>
        tpu.wait_dma2 semaphore(%run_scoped3A : memref<!tpu.dma_semaphore, #tpu.memory_space<semaphore_mem>>) src(%dma_wait3A_104 : memref<64x128xf32, #tpu.memory_space<hbm>>) dst(%arg12 : memref<64x128xf32, #tpu.memory_space<vmem>>)
        tpu.yield
      }) : () -> ()
      %scan3A_86 = arith.constant 0 : i32
      %scan3A_87 = arith.constant 0 : i32
      %scan3A_88 = arith.constant 64 : i32
      %scan3A_89 = arith.addi %scan3A_87, %scan3A_88 : i32
      %scan3A_90 = arith.constant 1 : i32
      scf.for %scan3A_99 = %scan3A_87 to %scan3A_89 step %scan3A_90  : i32 {
        %get3A = arith.index_cast %scan3A_99 : i32 to index
        %get3A_100 = arith.constant 96 : index
        %get3A_101 = tpu.vector_load %arg12[%get3A, %get3A_100] {strides = array<i32>} : memref<64x128xf32, #tpu.memory_space<vmem>>, vector<1x16xf32>,
        %get3A_102 = vector.shape_cast %get3A_101 : vector<1x16xf32> to vector<16xf32>
        %get3A_103 = arith.index_cast %scan3A_99 : i32 to index
        %get3A_104 = arith.constant 0 : index
        %get3A_105 = tpu.vector_load %arg11[%get3A_103, %get3A_104] {strides = array<i32>} : memref<64x128xf32, #tpu.memory_space<vmem>>, vector<1x16xf32>,
        %get3A_106 = vector.shape_cast %get3A_105 : vector<1x16xf32> to vector<16xf32>
        %get3A_107 = arith.index_cast %scan3A_99 : i32 to index
        %get3A_108 = arith.constant 0 : index
        %get3A_109 = tpu.vector_load %arg12[%get3A_107, %get3A_108] {strides = array<i32>} : memref<64x128xf32, #tpu.memory_space<vmem>>, vector<1x16xf32>,
        %get3A_110 = vector.shape_cast %get3A_109 : vector<1x16xf32> to vector<16xf32>
        %add3A_111 = arith.addf %get3A_106, %get3A_110 : vector<16xf32>
        %mul3A_112 = arith.mulf %add3A_111, %get3A_102 : vector<16xf32>
        %get3A_113 = arith.constant 0 : index
        %get3A_114 = tpu.vector_load %arg13[%get3A_113] {strides = array<i32>} : memref<128xf32, #tpu.memory_space<vmem>>, vector<16xf32>,
        %get3A_115 = vector.shape_cast %get3A_114 : vector<16xf32> to vector<16xf32>
        %add3A_116 = arith.addf %mul3A_112, %get3A_115 : vector<16xf32>
        %max3A = arith.constant 0.000000e+00 : f32
        %max3A_117 = vector.broadcast %max3A : f32 to vector<16xf32>
        %max3A_118 = arith.maximumf %add3A_116, %max3A_117 : vector<16xf32>
        %mul3A_119 = arith.mulf %max3A_118, %get3A_102 : vector<16xf32>
        %swap3A = arith.index_cast %scan3A_99 : i32 to index
        %swap3A_120 = arith.constant 0 : index
        %swap3A_121 = tpu.vector_load %arg12[%swap3A, %swap3A_120] {strides = array<i32>} : memref<64x128xf32, #tpu.memory_space<vmem>>, vector<1x16xf32>,
        %swap3A_122 = vector.shape_cast %swap3A_121 : vector<1x16xf32> to vector<16xf32>
        %swap3A_123 = vector.shape_cast %mul3A_119 : vector<16xf32> to vector<1x16xf32>
        tpu.vector_store %arg12[%swap3A, %swap3A_120], %swap3A_123 {strides = array<i32>} : memref<64x128xf32, #tpu.memory_space<vmem>>, vector<1x16xf32>,
        %get3A_124 = arith.index_cast %scan3A_99 : i32 to index
        %get3A_125 = arith.constant 16 : index
        %get3A_126 = tpu.vector_load %arg11[%get3A_124, %get3A_125] {strides = array<i32>} : memref<64x128xf32, #tpu.memory_space<vmem>>, vector<1x16xf32>,
        %get3A_127 = vector.shape_cast %get3A_126 : vector<1x16xf32> to vector<16xf32>
        %get3A_128 = arith.index_cast %scan3A_99 : i32 to index
        %get3A_129 = arith.constant 16 : index
        %get3A_130 = tpu.vector_load %arg12[%get3A_128, %get3A_129] {strides = array<i32>} : memref<64x128xf32, #tpu.memory_space<vmem>>, vector<1x16xf32>,
        %get3A_131 = vector.shape_cast %get3A_130 : vector<1x16xf32> to vector<16xf32>
        %add3A_132 = arith.addf %get3A_127, %get3A_131 : vector<16xf32>
        %mul3A_133 = arith.mulf %add3A_132, %get3A_102 : vector<16xf32>
        %get3A_134 = arith.constant 16 : index
        %get3A_135 = tpu.vector_load %arg13[%get3A_134] {strides = array<i32>} : memref<128xf32, #tpu.memory_space<vmem>>, vector<16xf32>,
        %get3A_136 = vector.shape_cast %get3A_135 : vector<16xf32> to vector<16xf32>
        %add3A_137 = arith.addf %mul3A_133, %get3A_136 : vector<16xf32>
        %max3A_138 = arith.constant 0.000000e+00 : f32
        %max3A_139 = vector.broadcast %max3A_138 : f32 to vector<16xf32>
        %max3A_140 = arith.maximumf %add3A_137, %max3A_139 : vector<16xf32>
        %mul3A_141 = arith.mulf %max3A_140, %get3A_102 : vector<16xf32>
        %swap3A_142 = arith.index_cast %scan3A_99 : i32 to index
        %swap3A_143 = arith.constant 16 : index
        %swap3A_144 = tpu.vector_load %arg12[%swap3A_142, %swap3A_143] {strides = array<i32>} : memref<64x128xf32, #tpu.memory_space<vmem>>, vector<1x16xf32>,
        %swap3A_145 = vector.shape_cast %swap3A_144 : vector<1x16xf32> to vector<16xf32>
        %swap3A_146 = vector.shape_cast %mul3A_141 : vector<16xf32> to vector<1x16xf32>
        tpu.vector_store %arg12[%swap3A_142, %swap3A_143], %swap3A_146 {strides = array<i32>} : memref<64x128xf32, #tpu.memory_space<vmem>>, vector<1x16xf32>,
        %get3A_147 = arith.index_cast %scan3A_99 : i32 to index
        %get3A_148 = arith.constant 32 : index
        %get3A_149 = tpu.vector_load %arg11[%get3A_147, %get3A_148] {strides = array<i32>} : memref<64x128xf32, #tpu.memory_space<vmem>>, vector<1x16xf32>,
        %get3A_150 = vector.shape_cast %get3A_149 : vector<1x16xf32> to vector<16xf32>
        %get3A_151 = arith.index_cast %scan3A_99 : i32 to index
        %get3A_152 = arith.constant 32 : index
        %get3A_153 = tpu.vector_load %arg12[%get3A_151, %get3A_152] {strides = array<i32>} : memref<64x128xf32, #tpu.memory_space<vmem>>, vector<1x16xf32>,
        %get3A_154 = vector.shape_cast %get3A_153 : vector<1x16xf32> to vector<16xf32>
        %add3A_155 = arith.addf %get3A_150, %get3A_154 : vector<16xf32>
        %mul3A_156 = arith.mulf %add3A_155, %get3A_102 : vector<16xf32>
        %get3A_157 = arith.constant 32 : index
        %get3A_158 = tpu.vector_load %arg13[%get3A_157] {strides = array<i32>} : memref<128xf32, #tpu.memory_space<vmem>>, vector<16xf32>,
        %get3A_159 = vector.shape_cast %get3A_158 : vector<16xf32> to vector<16xf32>
        %add3A_160 = arith.addf %mul3A_156, %get3A_159 : vector<16xf32>
        %max3A_161 = arith.constant 0.000000e+00 : f32
        %max3A_162 = vector.broadcast %max3A_161 : f32 to vector<16xf32>
        %max3A_163 = arith.maximumf %add3A_160, %max3A_162 : vector<16xf32>
        %mul3A_164 = arith.mulf %max3A_163, %get3A_102 : vector<16xf32>
        %swap3A_165 = arith.index_cast %scan3A_99 : i32 to index
        %swap3A_166 = arith.constant 32 : index
        %swap3A_167 = tpu.vector_load %arg12[%swap3A_165, %swap3A_166] {strides = array<i32>} : memref<64x128xf32, #tpu.memory_space<vmem>>, vector<1x16xf32>,
        %swap3A_168 = vector.shape_cast %swap3A_167 : vector<1x16xf32> to vector<16xf32>
        %swap3A_169 = vector.shape_cast %mul3A_164 : vector<16xf32> to vector<1x16xf32>
        tpu.vector_store %arg12[%swap3A_165, %swap3A_166], %swap3A_169 {strides = array<i32>} : memref<64x128xf32, #tpu.memory_space<vmem>>, vector<1x16xf32>,
        %get3A_170 = arith.index_cast %scan3A_99 : i32 to index
        %get3A_171 = arith.constant 48 : index
        %get3A_172 = tpu.vector_load %arg11[%get3A_170, %get3A_171] {strides = array<i32>} : memref<64x128xf32, #tpu.memory_space<vmem>>, vector<1x16xf32>,
        %get3A_173 = vector.shape_cast %get3A_172 : vector<1x16xf32> to vector<16xf32>
        %get3A_174 = arith.index_cast %scan3A_99 : i32 to index
        %get3A_175 = arith.constant 48 : index
        %get3A_176 = tpu.vector_load %arg12[%get3A_174, %get3A_175] {strides = array<i32>} : memref<64x128xf32, #tpu.memory_space<vmem>>, vector<1x16xf32>,
        %get3A_177 = vector.shape_cast %get3A_176 : vector<1x16xf32> to vector<16xf32>
        %add3A_178 = arith.addf %get3A_173, %get3A_177 : vector<16xf32>
        %mul3A_179 = arith.mulf %add3A_178, %get3A_102 : vector<16xf32>
        %get3A_180 = arith.constant 48 : index
        %get3A_181 = tpu.vector_load %arg13[%get3A_180] {strides = array<i32>} : memref<128xf32, #tpu.memory_space<vmem>>, vector<16xf32>,
        %get3A_182 = vector.shape_cast %get3A_181 : vector<16xf32> to vector<16xf32>
        %add3A_183 = arith.addf %mul3A_179, %get3A_182 : vector<16xf32>
        %max3A_184 = arith.constant 0.000000e+00 : f32
        %max3A_185 = vector.broadcast %max3A_184 : f32 to vector<16xf32>
        %max3A_186 = arith.maximumf %add3A_183, %max3A_185 : vector<16xf32>
        %mul3A_187 = arith.mulf %max3A_186, %get3A_102 : vector<16xf32>
        %swap3A_188 = arith.index_cast %scan3A_99 : i32 to index
        %swap3A_189 = arith.constant 48 : index
        %swap3A_190 = tpu.vector_load %arg12[%swap3A_188, %swap3A_189] {strides = array<i32>} : memref<64x128xf32, #tpu.memory_space<vmem>>, vector<1x16xf32>,
        %swap3A_191 = vector.shape_cast %swap3A_190 : vector<1x16xf32> to vector<16xf32>
        %swap3A_192 = vector.shape_cast %mul3A_187 : vector<16xf32> to vector<1x16xf32>
        tpu.vector_store %arg12[%swap3A_188, %swap3A_189], %swap3A_192 {strides = array<i32>} : memref<64x128xf32, #tpu.memory_space<vmem>>, vector<1x16xf32>,
        %get3A_193 = arith.index_cast %scan3A_99 : i32 to index
        %get3A_194 = arith.constant 64 : index
        %get3A_195 = tpu.vector_load %arg11[%get3A_193, %get3A_194] {strides = array<i32>} : memref<64x128xf32, #tpu.memory_space<vmem>>, vector<1x16xf32>,
        %get3A_196 = vector.shape_cast %get3A_195 : vector<1x16xf32> to vector<16xf32>
        %get3A_197 = arith.index_cast %scan3A_99 : i32 to index
        %get3A_198 = arith.constant 64 : index
        %get3A_199 = tpu.vector_load %arg12[%get3A_197, %get3A_198] {strides = array<i32>} : memref<64x128xf32, #tpu.memory_space<vmem>>, vector<1x16xf32>,
        %get3A_200 = vector.shape_cast %get3A_199 : vector<1x16xf32> to vector<16xf32>
        %add3A_201 = arith.addf %get3A_196, %get3A_200 : vector<16xf32>
        %mul3A_202 = arith.mulf %add3A_201, %get3A_102 : vector<16xf32>
        %get3A_203 = arith.constant 64 : index
        %get3A_204 = tpu.vector_load %arg13[%get3A_203] {strides = array<i32>} : memref<128xf32, #tpu.memory_space<vmem>>, vector<16xf32>,
        %get3A_205 = vector.shape_cast %get3A_204 : vector<16xf32> to vector<16xf32>
        %add3A_206 = arith.addf %mul3A_202, %get3A_205 : vector<16xf32>
        %max3A_207 = arith.constant 0.000000e+00 : f32
        %max3A_208 = vector.broadcast %max3A_207 : f32 to vector<16xf32>
        %max3A_209 = arith.maximumf %add3A_206, %max3A_208 : vector<16xf32>
        %mul3A_210 = arith.mulf %max3A_209, %get3A_102 : vector<16xf32>
        %swap3A_211 = arith.index_cast %scan3A_99 : i32 to index
        %swap3A_212 = arith.constant 64 : index
        %swap3A_213 = tpu.vector_load %arg12[%swap3A_211, %swap3A_212] {strides = array<i32>} : memref<64x128xf32, #tpu.memory_space<vmem>>, vector<1x16xf32>,
        %swap3A_214 = vector.shape_cast %swap3A_213 : vector<1x16xf32> to vector<16xf32>
        %swap3A_215 = vector.shape_cast %mul3A_210 : vector<16xf32> to vector<1x16xf32>
        tpu.vector_store %arg12[%swap3A_211, %swap3A_212], %swap3A_215 {strides = array<i32>} : memref<64x128xf32, #tpu.memory_space<vmem>>, vector<1x16xf32>,
        %get3A_216 = arith.index_cast %scan3A_99 : i32 to index
        %get3A_217 = arith.constant 80 : index
        %get3A_218 = tpu.vector_load %arg11[%get3A_216, %get3A_217] {strides = array<i32>} : memref<64x128xf32, #tpu.memory_space<vmem>>, vector<1x16xf32>,
        %get3A_219 = vector.shape_cast %get3A_218 : vector<1x16xf32> to vector<16xf32>
        %get3A_220 = arith.index_cast %scan3A_99 : i32 to index
        %get3A_221 = arith.constant 80 : index
        %get3A_222 = tpu.vector_load %arg12[%get3A_220, %get3A_221] {strides = array<i32>} : memref<64x128xf32, #tpu.memory_space<vmem>>, vector<1x16xf32>,
        %get3A_223 = vector.shape_cast %get3A_222 : vector<1x16xf32> to vector<16xf32>
        %add3A_224 = arith.addf %get3A_219, %get3A_223 : vector<16xf32>
        %mul3A_225 = arith.mulf %add3A_224, %get3A_102 : vector<16xf32>
        %get3A_226 = arith.constant 80 : index
        %get3A_227 = tpu.vector_load %arg13[%get3A_226] {strides = array<i32>} : memref<128xf32, #tpu.memory_space<vmem>>, vector<16xf32>,
        %get3A_228 = vector.shape_cast %get3A_227 : vector<16xf32> to vector<16xf32>
        %add3A_229 = arith.addf %mul3A_225, %get3A_228 : vector<16xf32>
        %max3A_230 = arith.constant 0.000000e+00 : f32
        %max3A_231 = vector.broadcast %max3A_230 : f32 to vector<16xf32>
        %max3A_232 = arith.maximumf %add3A_229, %max3A_231 : vector<16xf32>
        %mul3A_233 = arith.mulf %max3A_232, %get3A_102 : vector<16xf32>
        %swap3A_234 = arith.index_cast %scan3A_99 : i32 to index
        %swap3A_235 = arith.constant 80 : index
        %swap3A_236 = tpu.vector_load %arg12[%swap3A_234, %swap3A_235] {strides = array<i32>} : memref<64x128xf32, #tpu.memory_space<vmem>>, vector<1x16xf32>,
        %swap3A_237 = vector.shape_cast %swap3A_236 : vector<1x16xf32> to vector<16xf32>
        %swap3A_238 = vector.shape_cast %mul3A_233 : vector<16xf32> to vector<1x16xf32>
        tpu.vector_store %arg12[%swap3A_234, %swap3A_235], %swap3A_238 {strides = array<i32>} : memref<64x128xf32, #tpu.memory_space<vmem>>, vector<1x16xf32>,
      }
      %scan3A_91 = arith.constant 64 : i32
      %add3A_92 = arith.addi %mul3A_2, %mul3A_0 : i32
      %mul3A_93 = arith.constant 64 : i32
      %mul3A_94 = arith.muli %scan3A_78, %mul3A_93 : i32
      %add3A_95 = arith.addi %add3A_92, %mul3A_94 : i32
      "tpu.region"() ({
        %run_scoped3A = tpu.sem_alloc : memref<!tpu.dma_semaphore, #tpu.memory_space<semaphore_mem>>
        %dma_start3A = arith.constant 0 : i32
        %dma_start3A_99 = tpu.memref_slice %arg7[%add3A_95, %dma_start3A] : memref<20480x128xf32, #tpu.memory_space<hbm>> -> memref<64x128xf32, #tpu.memory_space<hbm>>
        %dma_start3A_100 = arith.constant 0 : i32
        %dma_start3A_101 = tpu.memref_slice %arg7[%add3A_95, %dma_start3A_100] : memref<20480x128xf32, #tpu.memory_space<hbm>> -> memref<64x128xf32, #tpu.memory_space<hbm>>
        tpu.enqueue_dma source(%arg12 : memref<64x128xf32, #tpu.memory_space<vmem>>) target(%dma_start3A_101 : memref<64x128xf32, #tpu.memory_space<hbm>>) target_semaphore(%run_scoped3A : memref<!tpu.dma_semaphore, #tpu.memory_space<semaphore_mem>>)
        %dma_wait3A = arith.constant 0 : i32
        %dma_wait3A_102 = tpu.memref_slice %arg7[%add3A_95, %dma_wait3A] : memref<20480x128xf32, #tpu.memory_space<hbm>> -> memref<64x128xf32, #tpu.memory_space<hbm>>
        %dma_wait3A_103 = arith.constant 0 : i32
        %dma_wait3A_104 = tpu.memref_slice %arg7[%add3A_95, %dma_wait3A_103] : memref<20480x128xf32, #tpu.memory_space<hbm>> -> memref<64x128xf32, #tpu.memory_space<hbm>>
        tpu.wait_dma2 semaphore(%run_scoped3A : memref<!tpu.dma_semaphore, #tpu.memory_space<semaphore_mem>>) src(%arg12 : memref<64x128xf32, #tpu.memory_space<vmem>>) dst(%dma_wait3A_104 : memref<64x128xf32, #tpu.memory_space<hbm>>)
        tpu.yield
      }) : () -> ()
      %mul3A_96 = arith.constant 64 : i32
      %mul3A_97 = arith.muli %scan3A_78, %mul3A_96 : i32
      %add3A_98 = arith.addi %mul3A_0, %mul3A_97 : i32
      "tpu.region"() ({
        %run_scoped3A = tpu.sem_alloc : memref<!tpu.dma_semaphore, #tpu.memory_space<semaphore_mem>>
        %dma_start3A = arith.constant 0 : i32
        %dma_start3A_99 = tpu.memref_slice %arg15[%add3A_98, %dma_start3A] : memref<10240x128xf32, #tpu.memory_space<vmem_shared>> -> memref<64x128xf32, #tpu.memory_space<vmem_shared>>
        %dma_start3A_100 = arith.constant 0 : i32
        %dma_start3A_101 = tpu.memref_slice %arg15[%add3A_98, %dma_start3A_100] : memref<10240x128xf32, #tpu.memory_space<vmem_shared>> -> memref<64x128xf32, #tpu.memory_space<vmem_shared>>
        tpu.enqueue_dma source(%arg14 : memref<64x128xf32, #tpu.memory_space<vmem>>) target(%dma_start3A_101 : memref<64x128xf32, #tpu.memory_space<vmem_shared>>) target_semaphore(%run_scoped3A : memref<!tpu.dma_semaphore, #tpu.memory_space<semaphore_mem>>)
        %dma_wait3A = arith.constant 0 : i32
        %dma_wait3A_102 = tpu.memref_slice %arg15[%add3A_98, %dma_wait3A] : memref<10240x128xf32, #tpu.memory_space<vmem_shared>> -> memref<64x128xf32, #tpu.memory_space<vmem_shared>>
        %dma_wait3A_103 = arith.constant 0 : i32
        %dma_wait3A_104 = tpu.memref_slice %arg15[%add3A_98, %dma_wait3A_103] : memref<10240x128xf32, #tpu.memory_space<vmem_shared>> -> memref<64x128xf32, #tpu.memory_space<vmem_shared>>
        tpu.wait_dma2 semaphore(%run_scoped3A : memref<!tpu.dma_semaphore, #tpu.memory_space<semaphore_mem>>) src(%arg14 : memref<64x128xf32, #tpu.memory_space<vmem>>) dst(%dma_wait3A_104 : memref<64x128xf32, #tpu.memory_space<vmem_shared>>)
        tpu.yield
      }) : () -> ()
    }
    %scan3A_63 = arith.constant 10 : i32
    %barrier3A_64 = arith.constant 0 : index
    tpu.barrier barrier_id(%barrier3A_64)
    %while3A_65 = arith.constant 0 : i32
    %while3A_66 = arith.constant 0 : i32
    %while3A_67 = arith.subi %add3A_12, %while3A_66 : i32
    %while3A_68 = arith.addi %while3A_66, %while3A_67 : i32
    %while3A_69 = arith.constant 1 : i32
    %while3A_70 = arith.divsi %while3A_67, %while3A_69 : i32
    %while3A_71 = arith.muli %while3A_70, %while3A_69 : i32
    %while3A_72 = arith.addi %while3A_66, %while3A_71 : i32
    %while3A_73 = arith.constant 1 : i32
    scf.for %while3A_78 = %while3A_66 to %while3A_72 step %while3A_73  : i32 {
      %add3A_79 = arith.addi %add3A, %while3A_78 : i32
      "tpu.region"() ({
        %run_scoped3A = tpu.sem_alloc : memref<!tpu.dma_semaphore, #tpu.memory_space<semaphore_mem>>
        %dma_start3A_91 = arith.constant 0 : i32
        %dma_start3A_92 = tpu.memref_slice %arg3[%add3A_79, %dma_start3A_91] : memref<2500x128xi32, #tpu.memory_space<hbm>> -> memref<1x128xi32, #tpu.memory_space<hbm>>
        %dma_start3A_93 = tpu.memref_squeeze %dma_start3A_92 : memref<1x128xi32, #tpu.memory_space<hbm>> -> memref<128xi32, #tpu.memory_space<hbm>>
        %dma_start3A_94 = arith.constant 0 : i32
        %dma_start3A_95 = tpu.memref_slice %arg3[%add3A_79, %dma_start3A_94] : memref<2500x128xi32, #tpu.memory_space<hbm>> -> memref<1x128xi32, #tpu.memory_space<hbm>>
        %dma_start3A_96 = tpu.memref_squeeze %dma_start3A_95 : memref<1x128xi32, #tpu.memory_space<hbm>> -> memref<128xi32, #tpu.memory_space<hbm>>
        tpu.enqueue_dma source(%dma_start3A_96 : memref<128xi32, #tpu.memory_space<hbm>>) target(%arg8 : memref<128xi32, #tpu.memory_space<vmem>>) target_semaphore(%run_scoped3A : memref<!tpu.dma_semaphore, #tpu.memory_space<semaphore_mem>>)
        %dma_wait3A_97 = arith.constant 0 : i32
        %dma_wait3A_98 = tpu.memref_slice %arg3[%add3A_79, %dma_wait3A_97] : memref<2500x128xi32, #tpu.memory_space<hbm>> -> memref<1x128xi32, #tpu.memory_space<hbm>>
        %dma_wait3A_99 = tpu.memref_squeeze %dma_wait3A_98 : memref<1x128xi32, #tpu.memory_space<hbm>> -> memref<128xi32, #tpu.memory_space<hbm>>
        %dma_wait3A_100 = arith.constant 0 : i32
        %dma_wait3A_101 = tpu.memref_slice %arg3[%add3A_79, %dma_wait3A_100] : memref<2500x128xi32, #tpu.memory_space<hbm>> -> memref<1x128xi32, #tpu.memory_space<hbm>>
        %dma_wait3A_102 = tpu.memref_squeeze %dma_wait3A_101 : memref<1x128xi32, #tpu.memory_space<hbm>> -> memref<128xi32, #tpu.memory_space<hbm>>
        tpu.wait_dma2 semaphore(%run_scoped3A : memref<!tpu.dma_semaphore, #tpu.memory_space<semaphore_mem>>) src(%dma_wait3A_102 : memref<128xi32, #tpu.memory_space<hbm>>) dst(%arg8 : memref<128xi32, #tpu.memory_space<vmem>>)
        tpu.yield
      }) : () -> ()
      %add3A_80 = arith.addi %add3A, %while3A_78 : i32
      "tpu.region"() ({
        %run_scoped3A = tpu.sem_alloc : memref<!tpu.dma_semaphore, #tpu.memory_space<semaphore_mem>>
        %dma_start3A_91 = arith.constant 0 : i32
        %dma_start3A_92 = tpu.memref_slice %arg4[%add3A_80, %dma_start3A_91] : memref<2500x128xi32, #tpu.memory_space<hbm>> -> memref<1x128xi32, #tpu.memory_space<hbm>>
        %dma_start3A_93 = tpu.memref_squeeze %dma_start3A_92 : memref<1x128xi32, #tpu.memory_space<hbm>> -> memref<128xi32, #tpu.memory_space<hbm>>
        %dma_start3A_94 = arith.constant 0 : i32
        %dma_start3A_95 = tpu.memref_slice %arg4[%add3A_80, %dma_start3A_94] : memref<2500x128xi32, #tpu.memory_space<hbm>> -> memref<1x128xi32, #tpu.memory_space<hbm>>
        %dma_start3A_96 = tpu.memref_squeeze %dma_start3A_95 : memref<1x128xi32, #tpu.memory_space<hbm>> -> memref<128xi32, #tpu.memory_space<hbm>>
        tpu.enqueue_dma source(%dma_start3A_96 : memref<128xi32, #tpu.memory_space<hbm>>) target(%arg9 : memref<128xi32, #tpu.memory_space<vmem>>) target_semaphore(%run_scoped3A : memref<!tpu.dma_semaphore, #tpu.memory_space<semaphore_mem>>)
        %dma_wait3A_97 = arith.constant 0 : i32
        %dma_wait3A_98 = tpu.memref_slice %arg4[%add3A_80, %dma_wait3A_97] : memref<2500x128xi32, #tpu.memory_space<hbm>> -> memref<1x128xi32, #tpu.memory_space<hbm>>
        %dma_wait3A_99 = tpu.memref_squeeze %dma_wait3A_98 : memref<1x128xi32, #tpu.memory_space<hbm>> -> memref<128xi32, #tpu.memory_space<hbm>>
        %dma_wait3A_100 = arith.constant 0 : i32
        %dma_wait3A_101 = tpu.memref_slice %arg4[%add3A_80, %dma_wait3A_100] : memref<2500x128xi32, #tpu.memory_space<hbm>> -> memref<1x128xi32, #tpu.memory_space<hbm>>
        %dma_wait3A_102 = tpu.memref_squeeze %dma_wait3A_101 : memref<1x128xi32, #tpu.memory_space<hbm>> -> memref<128xi32, #tpu.memory_space<hbm>>
        tpu.wait_dma2 semaphore(%run_scoped3A : memref<!tpu.dma_semaphore, #tpu.memory_space<semaphore_mem>>) src(%dma_wait3A_102 : memref<128xi32, #tpu.memory_space<hbm>>) dst(%arg9 : memref<128xi32, #tpu.memory_space<vmem>>)
        tpu.yield
      }) : () -> ()
      %scan3A_81 = arith.constant 0 : i32
      %scan3A_82 = arith.constant 0 : i32
      %scan3A_83 = arith.constant 8 : i32
      %scan3A_84 = arith.addi %scan3A_82, %scan3A_83 : i32
      %scan3A_85 = arith.constant 1 : i32
      scf.for %scan3A_91 = %scan3A_82 to %scan3A_84 step %scan3A_85  : i32 {
        %mul3A_92 = arith.constant 16 : i32
        %mul3A_93 = arith.muli %scan3A_91, %mul3A_92 : i32
        %get3A = arith.index_cast %mul3A_93 : i32 to index
        %get3A_94 = tpu.vector_load %arg8[%get3A] {strides = array<i32>} : memref<128xi32, #tpu.memory_space<vmem>>, vector<16xi32>,
        %get3A_95 = vector.shape_cast %get3A_94 : vector<16xi32> to vector<16xi32>
        %add3A_96 = vector.broadcast %mul3A_2 : i32 to vector<16xi32>
        %add3A_97 = arith.addi %get3A_95, %add3A_96 : vector<16xi32>
        %mul3A_98 = arith.constant 16 : i32
        %mul3A_99 = arith.muli %scan3A_91, %mul3A_98 : i32
        %swap3A = arith.index_cast %mul3A_99 : i32 to index
        %swap3A_100 = tpu.vector_load %arg8[%swap3A] {strides = array<i32>} : memref<128xi32, #tpu.memory_space<vmem>>, vector<16xi32>,
        %swap3A_101 = vector.shape_cast %swap3A_100 : vector<16xi32> to vector<16xi32>
        %swap3A_102 = vector.shape_cast %add3A_97 : vector<16xi32> to vector<16xi32>
        tpu.vector_store %arg8[%swap3A], %swap3A_102 {strides = array<i32>} : memref<128xi32, #tpu.memory_space<vmem>>, vector<16xi32>,
      }
      %scan3A_86 = arith.constant 8 : i32
      %dma_start3A = arith.constant 0 : i32
      %dma_start3A_87 = arith.constant 0 : i32
      %dma_start3A_88 = tpu.memref_slice %arg7[%dma_start3A, %dma_start3A_87] : memref<20480x128xf32, #tpu.memory_space<hbm>> -> memref<20480x128xf32, #tpu.memory_space<hbm>>
      tpu.enqueue_indirect_dma source(%dma_start3A_88 : memref<20480x128xf32, #tpu.memory_space<hbm>>) target(%arg10 : memref<128x128xf32, #tpu.memory_space<vmem>>) offsets(%arg8 : memref<128xi32, #tpu.memory_space<vmem>>) semaphore(%arg16 : memref<!tpu.dma_semaphore, #tpu.memory_space<semaphore_mem>>)
      %dma_wait3A = arith.constant 0 : i32
      %dma_wait3A_89 = arith.constant 0 : i32
      %dma_wait3A_90 = tpu.memref_slice %arg7[%dma_wait3A, %dma_wait3A_89] : memref<20480x128xf32, #tpu.memory_space<hbm>> -> memref<20480x128xf32, #tpu.memory_space<hbm>>
      tpu.wait_indirect_dma semaphore(%arg16 : memref<!tpu.dma_semaphore, #tpu.memory_space<semaphore_mem>>) src(%dma_wait3A_90 : memref<20480x128xf32, #tpu.memory_space<hbm>>) dst(%arg10 : memref<128x128xf32, #tpu.memory_space<vmem>>)
      "tpu.region"() ({
        %run_scoped3A = tpu.sem_alloc : memref<!tpu.dma_semaphore, #tpu.memory_space<semaphore_mem>>
        %dma_start3A_91 = arith.constant 0 : i32
        %dma_start3A_92 = arith.constant 0 : i32
        %dma_start3A_93 = tpu.memref_slice %arg15[%dma_start3A_91, %dma_start3A_92] : memref<10240x128xf32, #tpu.memory_space<vmem_shared>> -> memref<10240x128xf32, #tpu.memory_space<vmem_shared>>
        tpu.enqueue_indirect_dma source(%arg10 : memref<128x128xf32, #tpu.memory_space<vmem>>) target(%dma_start3A_93 : memref<10240x128xf32, #tpu.memory_space<vmem_shared>>) offsets(%arg9 : memref<128xi32, #tpu.memory_space<vmem>>) semaphore(%run_scoped3A : memref<!tpu.dma_semaphore, #tpu.memory_space<semaphore_mem>>) {add = true}
        %dma_wait3A_94 = arith.constant 0 : i32
        %dma_wait3A_95 = arith.constant 0 : i32
        %dma_wait3A_96 = tpu.memref_slice %arg15[%dma_wait3A_94, %dma_wait3A_95] : memref<10240x128xf32, #tpu.memory_space<vmem_shared>> -> memref<10240x128xf32, #tpu.memory_space<vmem_shared>>
        tpu.wait_indirect_dma semaphore(%run_scoped3A : memref<!tpu.dma_semaphore, #tpu.memory_space<semaphore_mem>>) src(%arg10 : memref<128x128xf32, #tpu.memory_space<vmem>>) dst(%dma_wait3A_96 : memref<10240x128xf32, #tpu.memory_space<vmem_shared>>)
        tpu.yield
      }) : () -> ()
    }
    %while3A_74 = arith.constant 1 : i32
    scf.for %while3A_78 = %while3A_72 to %while3A_68 step %while3A_74  : i32 {
      %add3A_79 = arith.addi %add3A, %while3A_78 : i32
      "tpu.region"() ({
        %run_scoped3A = tpu.sem_alloc : memref<!tpu.dma_semaphore, #tpu.memory_space<semaphore_mem>>
        %dma_start3A_91 = arith.constant 0 : i32
        %dma_start3A_92 = tpu.memref_slice %arg3[%add3A_79, %dma_start3A_91] : memref<2500x128xi32, #tpu.memory_space<hbm>> -> memref<1x128xi32, #tpu.memory_space<hbm>>
        %dma_start3A_93 = tpu.memref_squeeze %dma_start3A_92 : memref<1x128xi32, #tpu.memory_space<hbm>> -> memref<128xi32, #tpu.memory_space<hbm>>
        %dma_start3A_94 = arith.constant 0 : i32
        %dma_start3A_95 = tpu.memref_slice %arg3[%add3A_79, %dma_start3A_94] : memref<2500x128xi32, #tpu.memory_space<hbm>> -> memref<1x128xi32, #tpu.memory_space<hbm>>
        %dma_start3A_96 = tpu.memref_squeeze %dma_start3A_95 : memref<1x128xi32, #tpu.memory_space<hbm>> -> memref<128xi32, #tpu.memory_space<hbm>>
        tpu.enqueue_dma source(%dma_start3A_96 : memref<128xi32, #tpu.memory_space<hbm>>) target(%arg8 : memref<128xi32, #tpu.memory_space<vmem>>) target_semaphore(%run_scoped3A : memref<!tpu.dma_semaphore, #tpu.memory_space<semaphore_mem>>)
        %dma_wait3A_97 = arith.constant 0 : i32
        %dma_wait3A_98 = tpu.memref_slice %arg3[%add3A_79, %dma_wait3A_97] : memref<2500x128xi32, #tpu.memory_space<hbm>> -> memref<1x128xi32, #tpu.memory_space<hbm>>
        %dma_wait3A_99 = tpu.memref_squeeze %dma_wait3A_98 : memref<1x128xi32, #tpu.memory_space<hbm>> -> memref<128xi32, #tpu.memory_space<hbm>>
        %dma_wait3A_100 = arith.constant 0 : i32
        %dma_wait3A_101 = tpu.memref_slice %arg3[%add3A_79, %dma_wait3A_100] : memref<2500x128xi32, #tpu.memory_space<hbm>> -> memref<1x128xi32, #tpu.memory_space<hbm>>
        %dma_wait3A_102 = tpu.memref_squeeze %dma_wait3A_101 : memref<1x128xi32, #tpu.memory_space<hbm>> -> memref<128xi32, #tpu.memory_space<hbm>>
        tpu.wait_dma2 semaphore(%run_scoped3A : memref<!tpu.dma_semaphore, #tpu.memory_space<semaphore_mem>>) src(%dma_wait3A_102 : memref<128xi32, #tpu.memory_space<hbm>>) dst(%arg8 : memref<128xi32, #tpu.memory_space<vmem>>)
        tpu.yield
      }) : () -> ()
      %add3A_80 = arith.addi %add3A, %while3A_78 : i32
      "tpu.region"() ({
        %run_scoped3A = tpu.sem_alloc : memref<!tpu.dma_semaphore, #tpu.memory_space<semaphore_mem>>
        %dma_start3A_91 = arith.constant 0 : i32
        %dma_start3A_92 = tpu.memref_slice %arg4[%add3A_80, %dma_start3A_91] : memref<2500x128xi32, #tpu.memory_space<hbm>> -> memref<1x128xi32, #tpu.memory_space<hbm>>
        %dma_start3A_93 = tpu.memref_squeeze %dma_start3A_92 : memref<1x128xi32, #tpu.memory_space<hbm>> -> memref<128xi32, #tpu.memory_space<hbm>>
        %dma_start3A_94 = arith.constant 0 : i32
        %dma_start3A_95 = tpu.memref_slice %arg4[%add3A_80, %dma_start3A_94] : memref<2500x128xi32, #tpu.memory_space<hbm>> -> memref<1x128xi32, #tpu.memory_space<hbm>>
        %dma_start3A_96 = tpu.memref_squeeze %dma_start3A_95 : memref<1x128xi32, #tpu.memory_space<hbm>> -> memref<128xi32, #tpu.memory_space<hbm>>
        tpu.enqueue_dma source(%dma_start3A_96 : memref<128xi32, #tpu.memory_space<hbm>>) target(%arg9 : memref<128xi32, #tpu.memory_space<vmem>>) target_semaphore(%run_scoped3A : memref<!tpu.dma_semaphore, #tpu.memory_space<semaphore_mem>>)
        %dma_wait3A_97 = arith.constant 0 : i32
        %dma_wait3A_98 = tpu.memref_slice %arg4[%add3A_80, %dma_wait3A_97] : memref<2500x128xi32, #tpu.memory_space<hbm>> -> memref<1x128xi32, #tpu.memory_space<hbm>>
        %dma_wait3A_99 = tpu.memref_squeeze %dma_wait3A_98 : memref<1x128xi32, #tpu.memory_space<hbm>> -> memref<128xi32, #tpu.memory_space<hbm>>
        %dma_wait3A_100 = arith.constant 0 : i32
        %dma_wait3A_101 = tpu.memref_slice %arg4[%add3A_80, %dma_wait3A_100] : memref<2500x128xi32, #tpu.memory_space<hbm>> -> memref<1x128xi32, #tpu.memory_space<hbm>>
        %dma_wait3A_102 = tpu.memref_squeeze %dma_wait3A_101 : memref<1x128xi32, #tpu.memory_space<hbm>> -> memref<128xi32, #tpu.memory_space<hbm>>
        tpu.wait_dma2 semaphore(%run_scoped3A : memref<!tpu.dma_semaphore, #tpu.memory_space<semaphore_mem>>) src(%dma_wait3A_102 : memref<128xi32, #tpu.memory_space<hbm>>) dst(%arg9 : memref<128xi32, #tpu.memory_space<vmem>>)
        tpu.yield
      }) : () -> ()
      %scan3A_81 = arith.constant 0 : i32
      %scan3A_82 = arith.constant 0 : i32
      %scan3A_83 = arith.constant 8 : i32
      %scan3A_84 = arith.addi %scan3A_82, %scan3A_83 : i32
      %scan3A_85 = arith.constant 1 : i32
      scf.for %scan3A_91 = %scan3A_82 to %scan3A_84 step %scan3A_85  : i32 {
        %mul3A_92 = arith.constant 16 : i32
        %mul3A_93 = arith.muli %scan3A_91, %mul3A_92 : i32
        %get3A = arith.index_cast %mul3A_93 : i32 to index
        %get3A_94 = tpu.vector_load %arg8[%get3A] {strides = array<i32>} : memref<128xi32, #tpu.memory_space<vmem>>, vector<16xi32>,
        %get3A_95 = vector.shape_cast %get3A_94 : vector<16xi32> to vector<16xi32>
        %add3A_96 = vector.broadcast %mul3A_2 : i32 to vector<16xi32>
        %add3A_97 = arith.addi %get3A_95, %add3A_96 : vector<16xi32>
        %mul3A_98 = arith.constant 16 : i32
        %mul3A_99 = arith.muli %scan3A_91, %mul3A_98 : i32
        %swap3A = arith.index_cast %mul3A_99 : i32 to index
        %swap3A_100 = tpu.vector_load %arg8[%swap3A] {strides = array<i32>} : memref<128xi32, #tpu.memory_space<vmem>>, vector<16xi32>,
        %swap3A_101 = vector.shape_cast %swap3A_100 : vector<16xi32> to vector<16xi32>
        %swap3A_102 = vector.shape_cast %add3A_97 : vector<16xi32> to vector<16xi32>
        tpu.vector_store %arg8[%swap3A], %swap3A_102 {strides = array<i32>} : memref<128xi32, #tpu.memory_space<vmem>>, vector<16xi32>,
      }
      %scan3A_86 = arith.constant 8 : i32
      %dma_start3A = arith.constant 0 : i32
      %dma_start3A_87 = arith.constant 0 : i32
      %dma_start3A_88 = tpu.memref_slice %arg7[%dma_start3A, %dma_start3A_87] : memref<20480x128xf32, #tpu.memory_space<hbm>> -> memref<20480x128xf32, #tpu.memory_space<hbm>>
      tpu.enqueue_indirect_dma source(%dma_start3A_88 : memref<20480x128xf32, #tpu.memory_space<hbm>>) target(%arg10 : memref<128x128xf32, #tpu.memory_space<vmem>>) offsets(%arg8 : memref<128xi32, #tpu.memory_space<vmem>>) semaphore(%arg16 : memref<!tpu.dma_semaphore, #tpu.memory_space<semaphore_mem>>)
      %dma_wait3A = arith.constant 0 : i32
      %dma_wait3A_89 = arith.constant 0 : i32
      %dma_wait3A_90 = tpu.memref_slice %arg7[%dma_wait3A, %dma_wait3A_89] : memref<20480x128xf32, #tpu.memory_space<hbm>> -> memref<20480x128xf32, #tpu.memory_space<hbm>>
      tpu.wait_indirect_dma semaphore(%arg16 : memref<!tpu.dma_semaphore, #tpu.memory_space<semaphore_mem>>) src(%dma_wait3A_90 : memref<20480x128xf32, #tpu.memory_space<hbm>>) dst(%arg10 : memref<128x128xf32, #tpu.memory_space<vmem>>)
      "tpu.region"() ({
        %run_scoped3A = tpu.sem_alloc : memref<!tpu.dma_semaphore, #tpu.memory_space<semaphore_mem>>
        %dma_start3A_91 = arith.constant 0 : i32
        %dma_start3A_92 = arith.constant 0 : i32
        %dma_start3A_93 = tpu.memref_slice %arg15[%dma_start3A_91, %dma_start3A_92] : memref<10240x128xf32, #tpu.memory_space<vmem_shared>> -> memref<10240x128xf32, #tpu.memory_space<vmem_shared>>
        tpu.enqueue_indirect_dma source(%arg10 : memref<128x128xf32, #tpu.memory_space<vmem>>) target(%dma_start3A_93 : memref<10240x128xf32, #tpu.memory_space<vmem_shared>>) offsets(%arg9 : memref<128xi32, #tpu.memory_space<vmem>>) semaphore(%run_scoped3A : memref<!tpu.dma_semaphore, #tpu.memory_space<semaphore_mem>>) {add = true}
        %dma_wait3A_94 = arith.constant 0 : i32
        %dma_wait3A_95 = arith.constant 0 : i32
        %dma_wait3A_96 = tpu.memref_slice %arg15[%dma_wait3A_94, %dma_wait3A_95] : memref<10240x128xf32, #tpu.memory_space<vmem_shared>> -> memref<10240x128xf32, #tpu.memory_space<vmem_shared>>
        tpu.wait_indirect_dma semaphore(%run_scoped3A : memref<!tpu.dma_semaphore, #tpu.memory_space<semaphore_mem>>) src(%arg10 : memref<128x128xf32, #tpu.memory_space<vmem>>) dst(%dma_wait3A_96 : memref<10240x128xf32, #tpu.memory_space<vmem_shared>>)
        tpu.yield
      }) : () -> ()
    }
    %barrier3A_75 = arith.constant 0 : index
    tpu.barrier barrier_id(%barrier3A_75)
    %eq3A = arith.constant 0 : i32
    %eq3A_76 = arith.cmpi eq, %arg0, %eq3A : i32
    %convert_element_type3A = arith.extui %eq3A_76 : i1 to i32
    %cond3A = arith.constant 0 : i32
    %cond3A_77 = arith.cmpi ne, %convert_element_type3A, %cond3A : i32
    scf.if %cond3A_77 {
      %scan3A_78 = arith.constant 0 : i32
      %scan3A_79 = arith.constant 0 : i32
      %scan3A_80 = arith.constant 10 : i32
      %scan3A_81 = arith.addi %scan3A_79, %scan3A_80 : i32
      %scan3A_82 = arith.constant 1 : i32
      scf.for %scan3A_84 = %scan3A_79 to %scan3A_81 step %scan3A_82  : i32 {
        %mul3A_85 = arith.constant 64 : i32
        %mul3A_86 = arith.muli %scan3A_84, %mul3A_85 : i32
        %add3A_87 = arith.addi %mul3A_0, %mul3A_86 : i32
        "tpu.region"() ({
          %run_scoped3A = tpu.sem_alloc : memref<!tpu.dma_semaphore, #tpu.memory_space<semaphore_mem>>
          %dma_start3A = arith.constant 0 : i32
          %dma_start3A_101 = tpu.memref_slice %arg15[%add3A_87, %dma_start3A] : memref<10240x128xf32, #tpu.memory_space<vmem_shared>> -> memref<64x128xf32, #tpu.memory_space<vmem_shared>>
          %dma_start3A_102 = arith.constant 0 : i32
          %dma_start3A_103 = tpu.memref_slice %arg15[%add3A_87, %dma_start3A_102] : memref<10240x128xf32, #tpu.memory_space<vmem_shared>> -> memref<64x128xf32, #tpu.memory_space<vmem_shared>>
          tpu.enqueue_dma source(%dma_start3A_103 : memref<64x128xf32, #tpu.memory_space<vmem_shared>>) target(%arg11 : memref<64x128xf32, #tpu.memory_space<vmem>>) target_semaphore(%run_scoped3A : memref<!tpu.dma_semaphore, #tpu.memory_space<semaphore_mem>>)
          %dma_wait3A = arith.constant 0 : i32
          %dma_wait3A_104 = tpu.memref_slice %arg15[%add3A_87, %dma_wait3A] : memref<10240x128xf32, #tpu.memory_space<vmem_shared>> -> memref<64x128xf32, #tpu.memory_space<vmem_shared>>
          %dma_wait3A_105 = arith.constant 0 : i32
          %dma_wait3A_106 = tpu.memref_slice %arg15[%add3A_87, %dma_wait3A_105] : memref<10240x128xf32, #tpu.memory_space<vmem_shared>> -> memref<64x128xf32, #tpu.memory_space<vmem_shared>>
          tpu.wait_dma2 semaphore(%run_scoped3A : memref<!tpu.dma_semaphore, #tpu.memory_space<semaphore_mem>>) src(%dma_wait3A_106 : memref<64x128xf32, #tpu.memory_space<vmem_shared>>) dst(%arg11 : memref<64x128xf32, #tpu.memory_space<vmem>>)
          tpu.yield
        }) : () -> ()
        %add3A_88 = arith.addi %mul3A_2, %mul3A_0 : i32
        %mul3A_89 = arith.constant 64 : i32
        %mul3A_90 = arith.muli %scan3A_84, %mul3A_89 : i32
        %add3A_91 = arith.addi %add3A_88, %mul3A_90 : i32
        "tpu.region"() ({
          %run_scoped3A = tpu.sem_alloc : memref<!tpu.dma_semaphore, #tpu.memory_space<semaphore_mem>>
          %dma_start3A = arith.constant 0 : i32
          %dma_start3A_101 = tpu.memref_slice %arg7[%add3A_91, %dma_start3A] : memref<20480x128xf32, #tpu.memory_space<hbm>> -> memref<64x128xf32, #tpu.memory_space<hbm>>
          %dma_start3A_102 = arith.constant 0 : i32
          %dma_start3A_103 = tpu.memref_slice %arg7[%add3A_91, %dma_start3A_102] : memref<20480x128xf32, #tpu.memory_space<hbm>> -> memref<64x128xf32, #tpu.memory_space<hbm>>
          tpu.enqueue_dma source(%dma_start3A_103 : memref<64x128xf32, #tpu.memory_space<hbm>>) target(%arg12 : memref<64x128xf32, #tpu.memory_space<vmem>>) target_semaphore(%run_scoped3A : memref<!tpu.dma_semaphore, #tpu.memory_space<semaphore_mem>>)
          %dma_wait3A = arith.constant 0 : i32
          %dma_wait3A_104 = tpu.memref_slice %arg7[%add3A_91, %dma_wait3A] : memref<20480x128xf32, #tpu.memory_space<hbm>> -> memref<64x128xf32, #tpu.memory_space<hbm>>
          %dma_wait3A_105 = arith.constant 0 : i32
          %dma_wait3A_106 = tpu.memref_slice %arg7[%add3A_91, %dma_wait3A_105] : memref<20480x128xf32, #tpu.memory_space<hbm>> -> memref<64x128xf32, #tpu.memory_space<hbm>>
          tpu.wait_dma2 semaphore(%run_scoped3A : memref<!tpu.dma_semaphore, #tpu.memory_space<semaphore_mem>>) src(%dma_wait3A_106 : memref<64x128xf32, #tpu.memory_space<hbm>>) dst(%arg12 : memref<64x128xf32, #tpu.memory_space<vmem>>)
          tpu.yield
        }) : () -> ()
        %scan3A_92 = arith.constant 0 : i32
        %scan3A_93 = arith.constant 0 : i32
        %scan3A_94 = arith.constant 64 : i32
        %scan3A_95 = arith.addi %scan3A_93, %scan3A_94 : i32
        %scan3A_96 = arith.constant 1 : i32
        scf.for %scan3A_101 = %scan3A_93 to %scan3A_95 step %scan3A_96  : i32 {
          %get3A = arith.index_cast %scan3A_101 : i32 to index
          %get3A_102 = arith.constant 96 : index
          %get3A_103 = tpu.vector_load %arg12[%get3A, %get3A_102] {strides = array<i32>} : memref<64x128xf32, #tpu.memory_space<vmem>>, vector<1x16xf32>,
          %get3A_104 = vector.shape_cast %get3A_103 : vector<1x16xf32> to vector<16xf32>
          %get3A_105 = arith.index_cast %scan3A_101 : i32 to index
          %get3A_106 = arith.constant 0 : index
          %get3A_107 = tpu.vector_load %arg11[%get3A_105, %get3A_106] {strides = array<i32>} : memref<64x128xf32, #tpu.memory_space<vmem>>, vector<1x16xf32>,
          %get3A_108 = vector.shape_cast %get3A_107 : vector<1x16xf32> to vector<16xf32>
          %get3A_109 = arith.index_cast %scan3A_101 : i32 to index
          %get3A_110 = arith.constant 0 : index
          %get3A_111 = tpu.vector_load %arg12[%get3A_109, %get3A_110] {strides = array<i32>} : memref<64x128xf32, #tpu.memory_space<vmem>>, vector<1x16xf32>,
          %get3A_112 = vector.shape_cast %get3A_111 : vector<1x16xf32> to vector<16xf32>
          %add3A_113 = arith.addf %get3A_108, %get3A_112 : vector<16xf32>
          %mul3A_114 = arith.mulf %add3A_113, %get3A_104 : vector<16xf32>
          %swap3A = arith.index_cast %scan3A_101 : i32 to index
          %swap3A_115 = arith.constant 0 : index
          %swap3A_116 = tpu.vector_load %arg11[%swap3A, %swap3A_115] {strides = array<i32>} : memref<64x128xf32, #tpu.memory_space<vmem>>, vector<1x16xf32>,
          %swap3A_117 = vector.shape_cast %swap3A_116 : vector<1x16xf32> to vector<16xf32>
          %swap3A_118 = vector.shape_cast %mul3A_114 : vector<16xf32> to vector<1x16xf32>
          tpu.vector_store %arg11[%swap3A, %swap3A_115], %swap3A_118 {strides = array<i32>} : memref<64x128xf32, #tpu.memory_space<vmem>>, vector<1x16xf32>,
          %get3A_119 = arith.index_cast %scan3A_101 : i32 to index
          %get3A_120 = arith.constant 16 : index
          %get3A_121 = tpu.vector_load %arg11[%get3A_119, %get3A_120] {strides = array<i32>} : memref<64x128xf32, #tpu.memory_space<vmem>>, vector<1x16xf32>,
          %get3A_122 = vector.shape_cast %get3A_121 : vector<1x16xf32> to vector<16xf32>
          %get3A_123 = arith.index_cast %scan3A_101 : i32 to index
          %get3A_124 = arith.constant 16 : index
          %get3A_125 = tpu.vector_load %arg12[%get3A_123, %get3A_124] {strides = array<i32>} : memref<64x128xf32, #tpu.memory_space<vmem>>, vector<1x16xf32>,
          %get3A_126 = vector.shape_cast %get3A_125 : vector<1x16xf32> to vector<16xf32>
          %add3A_127 = arith.addf %get3A_122, %get3A_126 : vector<16xf32>
          %mul3A_128 = arith.mulf %add3A_127, %get3A_104 : vector<16xf32>
          %swap3A_129 = arith.index_cast %scan3A_101 : i32 to index
          %swap3A_130 = arith.constant 16 : index
          %swap3A_131 = tpu.vector_load %arg11[%swap3A_129, %swap3A_130] {strides = array<i32>} : memref<64x128xf32, #tpu.memory_space<vmem>>, vector<1x16xf32>,
          %swap3A_132 = vector.shape_cast %swap3A_131 : vector<1x16xf32> to vector<16xf32>
          %swap3A_133 = vector.shape_cast %mul3A_128 : vector<16xf32> to vector<1x16xf32>
          tpu.vector_store %arg11[%swap3A_129, %swap3A_130], %swap3A_133 {strides = array<i32>} : memref<64x128xf32, #tpu.memory_space<vmem>>, vector<1x16xf32>,
          %get3A_134 = arith.index_cast %scan3A_101 : i32 to index
          %get3A_135 = arith.constant 32 : index
          %get3A_136 = tpu.vector_load %arg11[%get3A_134, %get3A_135] {strides = array<i32>} : memref<64x128xf32, #tpu.memory_space<vmem>>, vector<1x16xf32>,
          %get3A_137 = vector.shape_cast %get3A_136 : vector<1x16xf32> to vector<16xf32>
          %get3A_138 = arith.index_cast %scan3A_101 : i32 to index
          %get3A_139 = arith.constant 32 : index
          %get3A_140 = tpu.vector_load %arg12[%get3A_138, %get3A_139] {strides = array<i32>} : memref<64x128xf32, #tpu.memory_space<vmem>>, vector<1x16xf32>,
          %get3A_141 = vector.shape_cast %get3A_140 : vector<1x16xf32> to vector<16xf32>
          %add3A_142 = arith.addf %get3A_137, %get3A_141 : vector<16xf32>
          %mul3A_143 = arith.mulf %add3A_142, %get3A_104 : vector<16xf32>
          %swap3A_144 = arith.index_cast %scan3A_101 : i32 to index
          %swap3A_145 = arith.constant 32 : index
          %swap3A_146 = tpu.vector_load %arg11[%swap3A_144, %swap3A_145] {strides = array<i32>} : memref<64x128xf32, #tpu.memory_space<vmem>>, vector<1x16xf32>,
          %swap3A_147 = vector.shape_cast %swap3A_146 : vector<1x16xf32> to vector<16xf32>
          %swap3A_148 = vector.shape_cast %mul3A_143 : vector<16xf32> to vector<1x16xf32>
          tpu.vector_store %arg11[%swap3A_144, %swap3A_145], %swap3A_148 {strides = array<i32>} : memref<64x128xf32, #tpu.memory_space<vmem>>, vector<1x16xf32>,
          %get3A_149 = arith.index_cast %scan3A_101 : i32 to index
          %get3A_150 = arith.constant 48 : index
          %get3A_151 = tpu.vector_load %arg11[%get3A_149, %get3A_150] {strides = array<i32>} : memref<64x128xf32, #tpu.memory_space<vmem>>, vector<1x16xf32>,
          %get3A_152 = vector.shape_cast %get3A_151 : vector<1x16xf32> to vector<16xf32>
          %get3A_153 = arith.index_cast %scan3A_101 : i32 to index
          %get3A_154 = arith.constant 48 : index
          %get3A_155 = tpu.vector_load %arg12[%get3A_153, %get3A_154] {strides = array<i32>} : memref<64x128xf32, #tpu.memory_space<vmem>>, vector<1x16xf32>,
          %get3A_156 = vector.shape_cast %get3A_155 : vector<1x16xf32> to vector<16xf32>
          %add3A_157 = arith.addf %get3A_152, %get3A_156 : vector<16xf32>
          %mul3A_158 = arith.mulf %add3A_157, %get3A_104 : vector<16xf32>
          %swap3A_159 = arith.index_cast %scan3A_101 : i32 to index
          %swap3A_160 = arith.constant 48 : index
          %swap3A_161 = tpu.vector_load %arg11[%swap3A_159, %swap3A_160] {strides = array<i32>} : memref<64x128xf32, #tpu.memory_space<vmem>>, vector<1x16xf32>,
          %swap3A_162 = vector.shape_cast %swap3A_161 : vector<1x16xf32> to vector<16xf32>
          %swap3A_163 = vector.shape_cast %mul3A_158 : vector<16xf32> to vector<1x16xf32>
          tpu.vector_store %arg11[%swap3A_159, %swap3A_160], %swap3A_163 {strides = array<i32>} : memref<64x128xf32, #tpu.memory_space<vmem>>, vector<1x16xf32>,
          %get3A_164 = arith.index_cast %scan3A_101 : i32 to index
          %get3A_165 = arith.constant 64 : index
          %get3A_166 = tpu.vector_load %arg11[%get3A_164, %get3A_165] {strides = array<i32>} : memref<64x128xf32, #tpu.memory_space<vmem>>, vector<1x16xf32>,
          %get3A_167 = vector.shape_cast %get3A_166 : vector<1x16xf32> to vector<16xf32>
          %get3A_168 = arith.index_cast %scan3A_101 : i32 to index
          %get3A_169 = arith.constant 64 : index
          %get3A_170 = tpu.vector_load %arg12[%get3A_168, %get3A_169] {strides = array<i32>} : memref<64x128xf32, #tpu.memory_space<vmem>>, vector<1x16xf32>,
          %get3A_171 = vector.shape_cast %get3A_170 : vector<1x16xf32> to vector<16xf32>
          %add3A_172 = arith.addf %get3A_167, %get3A_171 : vector<16xf32>
          %mul3A_173 = arith.mulf %add3A_172, %get3A_104 : vector<16xf32>
          %swap3A_174 = arith.index_cast %scan3A_101 : i32 to index
          %swap3A_175 = arith.constant 64 : index
          %swap3A_176 = tpu.vector_load %arg11[%swap3A_174, %swap3A_175] {strides = array<i32>} : memref<64x128xf32, #tpu.memory_space<vmem>>, vector<1x16xf32>,
          %swap3A_177 = vector.shape_cast %swap3A_176 : vector<1x16xf32> to vector<16xf32>
          %swap3A_178 = vector.shape_cast %mul3A_173 : vector<16xf32> to vector<1x16xf32>
          tpu.vector_store %arg11[%swap3A_174, %swap3A_175], %swap3A_178 {strides = array<i32>} : memref<64x128xf32, #tpu.memory_space<vmem>>, vector<1x16xf32>,
          %get3A_179 = arith.index_cast %scan3A_101 : i32 to index
          %get3A_180 = arith.constant 80 : index
          %get3A_181 = tpu.vector_load %arg11[%get3A_179, %get3A_180] {strides = array<i32>} : memref<64x128xf32, #tpu.memory_space<vmem>>, vector<1x16xf32>,
          %get3A_182 = vector.shape_cast %get3A_181 : vector<1x16xf32> to vector<16xf32>
          %get3A_183 = arith.index_cast %scan3A_101 : i32 to index
          %get3A_184 = arith.constant 80 : index
          %get3A_185 = tpu.vector_load %arg12[%get3A_183, %get3A_184] {strides = array<i32>} : memref<64x128xf32, #tpu.memory_space<vmem>>, vector<1x16xf32>,
          %get3A_186 = vector.shape_cast %get3A_185 : vector<1x16xf32> to vector<16xf32>
          %add3A_187 = arith.addf %get3A_182, %get3A_186 : vector<16xf32>
          %mul3A_188 = arith.mulf %add3A_187, %get3A_104 : vector<16xf32>
          %swap3A_189 = arith.index_cast %scan3A_101 : i32 to index
          %swap3A_190 = arith.constant 80 : index
          %swap3A_191 = tpu.vector_load %arg11[%swap3A_189, %swap3A_190] {strides = array<i32>} : memref<64x128xf32, #tpu.memory_space<vmem>>, vector<1x16xf32>,
          %swap3A_192 = vector.shape_cast %swap3A_191 : vector<1x16xf32> to vector<16xf32>
          %swap3A_193 = vector.shape_cast %mul3A_188 : vector<16xf32> to vector<1x16xf32>
          tpu.vector_store %arg11[%swap3A_189, %swap3A_190], %swap3A_193 {strides = array<i32>} : memref<64x128xf32, #tpu.memory_space<vmem>>, vector<1x16xf32>,
        }
        %scan3A_97 = arith.constant 64 : i32
        %mul3A_98 = arith.constant 64 : i32
        %mul3A_99 = arith.muli %scan3A_84, %mul3A_98 : i32
        %add3A_100 = arith.addi %mul3A_0, %mul3A_99 : i32
        "tpu.region"() ({
          %run_scoped3A = tpu.sem_alloc : memref<!tpu.dma_semaphore, #tpu.memory_space<semaphore_mem>>
          %dma_start3A = arith.constant 0 : i32
          %dma_start3A_101 = tpu.memref_slice %arg6[%add3A_100, %dma_start3A] : memref<10240x128xf32, #tpu.memory_space<hbm>> -> memref<64x128xf32, #tpu.memory_space<hbm>>
          %dma_start3A_102 = arith.constant 0 : i32
          %dma_start3A_103 = tpu.memref_slice %arg6[%add3A_100, %dma_start3A_102] : memref<10240x128xf32, #tpu.memory_space<hbm>> -> memref<64x128xf32, #tpu.memory_space<hbm>>
          tpu.enqueue_dma source(%arg11 : memref<64x128xf32, #tpu.memory_space<vmem>>) target(%dma_start3A_103 : memref<64x128xf32, #tpu.memory_space<hbm>>) target_semaphore(%run_scoped3A : memref<!tpu.dma_semaphore, #tpu.memory_space<semaphore_mem>>)
          %dma_wait3A = arith.constant 0 : i32
          %dma_wait3A_104 = tpu.memref_slice %arg6[%add3A_100, %dma_wait3A] : memref<10240x128xf32, #tpu.memory_space<hbm>> -> memref<64x128xf32, #tpu.memory_space<hbm>>
          %dma_wait3A_105 = arith.constant 0 : i32
          %dma_wait3A_106 = tpu.memref_slice %arg6[%add3A_100, %dma_wait3A_105] : memref<10240x128xf32, #tpu.memory_space<hbm>> -> memref<64x128xf32, #tpu.memory_space<hbm>>
          tpu.wait_dma2 semaphore(%run_scoped3A : memref<!tpu.dma_semaphore, #tpu.memory_space<semaphore_mem>>) src(%arg11 : memref<64x128xf32, #tpu.memory_space<vmem>>) dst(%dma_wait3A_106 : memref<64x128xf32, #tpu.memory_space<hbm>>)
          tpu.yield
        }) : () -> ()
      }
      %scan3A_83 = arith.constant 10 : i32
    } else {
    }
    return
  }
}

module attributes {stable_mosaic.version = 14 : i64} {
  func.func @_tc_pre(%arg0: memref<10000x128xf32, #tpu.memory_space<vmem>>, %arg1: memref<128x128xf32, #tpu.memory_space<vmem>>, %arg2: memref<10240x128xf32, #tpu.memory_space<vmem>>) attributes {dimension_semantics = [], scalar_prefetch = 0 : i64, scratch_operands = 0 : i64, tpu.core_type = #tpu.core_type<tc>} {
    %get3A = arith.constant 0 : index
    %get3A_0 = arith.constant 0 : index
    %get3A_1 = vector.load %arg0[%get3A, %get3A_0] : memref<10000x128xf32, #tpu.memory_space<vmem>>, vector<10000x128xf32>
    %get3A_2 = arith.constant 0 : index
    %get3A_3 = arith.constant 0 : index
    %get3A_4 = vector.load %arg1[%get3A_2, %get3A_3] : memref<128x128xf32, #tpu.memory_space<vmem>>, vector<128x128xf32>
    %dot_general3A = arith.constant dense<0.000000e+00> : vector<10000x128xf32>
    %dot_general3A_5 = tpu.matmul %get3A_1, %get3A_4, %dot_general3A {dimension_numbers = #tpu.dot_dimension_numbers<[1], [0], [0], [1], [0, 0, 1, 1], [], []>, transpose_lhs_hint = false} : vector<10000x128xf32>, vector<128x128xf32>, vector<10000x128xf32> -> vector<10000x128xf32>
    %swap3A = arith.constant 0 : index
    %swap3A_6 = arith.constant 0 : index
    %swap3A_7 = vector.load %arg2[%swap3A, %swap3A_6] : memref<10240x128xf32, #tpu.memory_space<vmem>>, vector<10000x128xf32>
    tpu.vector_store %arg2[%swap3A, %swap3A_6], %dot_general3A_5 {strides = array<i32>} : memref<10240x128xf32, #tpu.memory_space<vmem>>, vector<10000x128xf32>,
    %broadcast_in_dim3A = arith.constant 0.000000e+00 : f32
    %broadcast_in_dim3A_8 = vector.broadcast %broadcast_in_dim3A : f32 to vector<240x128xf32>
    %swap3A_9 = arith.constant 10000 : index
    %swap3A_10 = arith.constant 0 : index
    %swap3A_11 = vector.load %arg2[%swap3A_9, %swap3A_10] : memref<10240x128xf32, #tpu.memory_space<vmem>>, vector<240x128xf32>
    tpu.vector_store %arg2[%swap3A_9, %swap3A_10], %broadcast_in_dim3A_8 {strides = array<i32>} : memref<10240x128xf32, #tpu.memory_space<vmem>>, vector<240x128xf32>,
    return
  }
}

module attributes {stable_mosaic.version = 14 : i64} {
  func.func @_tc_post(%arg0: memref<10240x128xf32, #tpu.memory_space<vmem>>, %arg1: memref<128x96xf32, #tpu.memory_space<vmem>>, %arg2: memref<1x96xf32, #tpu.memory_space<vmem>>, %arg3: memref<10000x96xf32, #tpu.memory_space<vmem>>) attributes {dimension_semantics = [], scalar_prefetch = 0 : i64, scratch_operands = 0 : i64, tpu.core_type = #tpu.core_type<tc>} {
    %get3A = arith.constant 0 : index
    %get3A_0 = arith.constant 0 : index
    %get3A_1 = vector.load %arg0[%get3A, %get3A_0] : memref<10240x128xf32, #tpu.memory_space<vmem>>, vector<10000x128xf32>
    %get3A_2 = arith.constant 0 : index
    %get3A_3 = arith.constant 0 : index
    %get3A_4 = vector.load %arg1[%get3A_2, %get3A_3] : memref<128x96xf32, #tpu.memory_space<vmem>>, vector<128x96xf32>
    %dot_general3A = arith.constant dense<0.000000e+00> : vector<10000x96xf32>
    %dot_general3A_5 = tpu.matmul %get3A_1, %get3A_4, %dot_general3A {dimension_numbers = #tpu.dot_dimension_numbers<[1], [0], [0], [1], [0, 0, 1, 1], [], []>, transpose_lhs_hint = false} : vector<10000x128xf32>, vector<128x96xf32>, vector<10000x96xf32> -> vector<10000x96xf32>
    %get3A_6 = arith.constant 0 : index
    %get3A_7 = arith.constant 0 : index
    %get3A_8 = vector.load %arg2[%get3A_6, %get3A_7] : memref<1x96xf32, #tpu.memory_space<vmem>>, vector<1x96xf32>
    %add3A = vector.broadcast %get3A_8 : vector<1x96xf32> to vector<10000x96xf32>
    %add3A_9 = arith.addf %dot_general3A_5, %add3A : vector<10000x96xf32>
    %swap3A = arith.constant 0 : index
    %swap3A_10 = arith.constant 0 : index
    %swap3A_11 = vector.load %arg3[%swap3A, %swap3A_10] : memref<10000x96xf32, #tpu.memory_space<vmem>>, vector<10000x96xf32>
    tpu.vector_store %arg3[%swap3A, %swap3A_10], %add3A_9 {strides = array<i32>} : memref<10000x96xf32, #tpu.memory_space<vmem>>, vector<10000x96xf32>,
    return
  }
}

</mosaic_0001>

<sc_bundles>
// kernel: kernel.5.cloned.1.call-start
scs
__scs_entry_jumppad:
0x0: {  	(pc) =	sbr.rel $0x88, $3  }
0x1: {  	(tag) =	ssettag $0x0;
	lr =	simm.s32 $0x1  }
0x2: {  	[smem:$0x3F99] =	sst lr;
	_ =	strace $0xD0000000  }
0x3: {  	_ = 	snop  }
0x4: {  	_ = 	snop  }
0x5: {  	_ = 	snop  }
0x6: {  	_ = 	snop  }
0x7: {  	_ = 	snop  }
__scs_overlays_trampoline_lowered:
0x8: {  	[smem:$0x3FA8] =	sst s0  }
0x9: {  	[smem:$0x3FA9] =	sst s1  }
0xa: {  	[smem:$0x3FAA] =	sst s2  }
0xb: {  	[smem:$0x3FAB] =	sst s3  }
0xc: {  	[smem:$0x3FAC] =	sst s4  }
0xd: {  	[smem:$0x3FAD] =	sst s5  }
0xe: {  	[smem:$0x3FAE] =	sst s6  }
0xf: {  	[smem:$0x3FAF] =	sst s7  }
0x10: {  	[smem:$0x3FB0] =	sst s8  }
0x11: {  	[smem:$0x3FB1] =	sst s9;
	s0 =	simm.s32 @!p0 $0x0  }
0x12: {  	s1 =	sld [smem:$0x3F97];
	s0 =	simm.s32 @p0 $0x1  }
0x13: {  	[smem:$0x3FB2] =	sst s0;
	s0 =	simm.s32 @!p1 $0x0  }
0x14: {  	s2 =	sld [smem:$0x3F96];
	s0 =	simm.s32 @p1 $0x1  }
0x15: {  	[smem:$0x3FB3] =	sst s0;
	s0 =	simm.s32 @!p2 $0x0  }
0x16: {  	s3 =	sld [smem:$0x3FDB];
	s0 =	simm.s32 @p2 $0x1  }
0x17: {  	s4 =	simm.s32 $0x1BF5;
	[smem:$0x3FB5] =	sst s0  }
0x18: {  	s0 =	sld [smem:$0x3F98];
	_ =	swait.ge [sflag:s4], $0x0  }
0x19: {  	s7 =	sld [smem:$0x3F99]  }
0x1a: {  	s8 =	sadd.s32 $0xFFFFE003, lr  }
0x1b: {  	s9 =	sadd.s32 $0xFFFFFEF7, lr;
	s5 =	simm.s32 $0xFFFFFFFF;
	p2 =	slt.u32 s8, $0xFFFFF086  }
0x1c: {  	p1 =	slt.u32 s9, $0xF7A;
	s5 =	simm.s32 @!p2 $0x0  }
0x1d: {  	s5 =	simm.s32 @p1 $0x1;
	p0 =	seq.s32 s7, s2  }
0x1e: {  	s7 =	smul.u32 @!p0 $0xF7A, s2;
	p2 =	seq.s32 @!p0 s5, $0x0  }
0x1f: {  	s9 =	smul.u32 $0xF7A, s1;
	s8 =	simm.s32 @!p0 $0x1BF5;
	p2 =	por !p2, p0  }
0x20: {  	[sflag:s8] =	ssyncset.s32 @!p0 $0xFFFFF086;
	s6 =	sadd.s32 @!p0 s3, s7;
	s7 =	simm.s32 @!p0 $0x108  }
0x21: {  	s3 =	sadd.s32 s3, s9;
	s6 =	sadd.s32 @!p0 $0x88, s6;
	s7 =	simm.s32 @p2 $0x1082  }
0x22: {  	[simem:s7], [sflag:s8] =	dma.local @!p0 [hbm:s6], $0xF7A  }
0x23: {  	s9 =	sor.u32 $0xD0000000, s2;
	s6 =	simm.s32 $0x108;
	_ =	swait.ge @!p0 [sflag:s8], $0x0  }
0x24: {  	s3 =	sadd.s32 $0x88, s3;
	s6 =	simm.s32 @!p1 $0x1082;
	[sflag:s4] =	ssyncset.s32 $0xFFFFF086  }
0x25: {  	[simem:s6], [sflag:s4] =	dma.local [hbm:s3], $0xF7A  }
0x26: {  	[smem:$0x3F99] =	sst s1;
	(tag) =	ssettag s2;
	_ =	strace s9  }
0x27: {  	s1 =	sld [smem:$0x3FA9]  }
0x28: {  	s2 =	sld [smem:$0x3FAA]  }
0x29: {  	s4 =	sld [smem:$0x3FAC]  }
0x2a: {  	p0 =	seq.s32 s5, $0x0;
	s5 =	sld [smem:$0x3FAD]  }
0x2b: {  	s6 =	sld [smem:$0x3FAE]  }
0x2c: {  	s7 =	sld [smem:$0x3FAF]  }
0x2d: {  	s3 =	simm.s32 $0x108;
	s8 =	sld [smem:$0x3FB0]  }
0x2e: {  	s3 =	simm.s32 @!p0 $0x1082;
	s9 =	sld [smem:$0x3FB1]  }
0x2f: {  	lr =	sadd.s32 s0, s3;
	s0 =	sld [smem:$0x3FA8]  }
0x30: {  	s3 =	sld [smem:$0x3FAB]  }
0x31: {  	[smem:$0x3FB4] =	sst s10  }
0x32: {  	s10 =	sld [smem:$0x3FB2];
	_ =	sdelay $0x3  }
0x33: {  	p0 =	seq.s32 s10, $0x1;
	s10 =	sld [smem:$0x3FB4];
	_ =	sdelay $0x3  }
0x34: {  	[smem:$0x3FB4] =	sst s10  }
0x35: {  	s10 =	sld [smem:$0x3FB3];
	_ =	sdelay $0x3  }
0x36: {  	p1 =	seq.s32 s10, $0x1;
	s10 =	sld [smem:$0x3FB4];
	_ =	sdelay $0x3  }
0x37: {  	[smem:$0x3FB4] =	sst s10  }
0x38: {  	s10 =	sld [smem:$0x3FB5]  }
0x39: {  	_ = 	snop;
	(pc) =	sbr.ind lr, $3  }
0x3a: {  	_ = 	snop  }
0x3b: {  	_ = 	snop  }
0x3c: {  	p2 =	seq.s32 s10, $0x1;
	s10 =	sld [smem:$0x3FB4]  }
0x3d: {  	_ =	shalt  }
0x3e: {  	_ =	shalt  }
0x3f: {  	_ =	shalt  }
0x40: {  	_ =	shalt  }
0x41: {  	_ =	shalt  }
0x42: {  	_ =	shalt  }
0x43: {  	_ =	shalt  }
0x44: {  	_ =	shalt  }
0x45: {  	_ =	shalt  }
0x46: {  	_ =	shalt  }
0x47: {  	_ =	shalt  }
0x48: {  	_ =	shalt  }
0x49: {  	_ =	shalt  }
0x4a: {  	_ =	shalt  }
0x4b: {  	_ =	shalt  }
0x4c: {  	_ =	shalt  }
0x4d: {  	_ =	shalt  }
0x4e: {  	_ =	shalt  }
0x4f: {  	_ =	shalt  }
0x50: {  	_ =	shalt  }
0x51: {  	_ =	shalt  }
0x52: {  	_ =	shalt  }
0x53: {  	_ =	shalt  }
0x54: {  	_ =	shalt  }
0x55: {  	_ =	shalt  }
0x56: {  	_ =	shalt  }
0x57: {  	_ =	shalt  }
0x58: {  	_ =	shalt  }
0x59: {  	_ =	shalt  }
0x5a: {  	_ =	shalt  }
0x5b: {  	_ =	shalt  }
0x5c: {  	_ =	shalt  }
0x5d: {  	_ =	shalt  }
0x5e: {  	_ =	shalt  }
0x5f: {  	_ =	shalt  }
0x60: {  	_ =	shalt  }
0x61: {  	_ =	shalt  }
0x62: {  	_ =	shalt  }
0x63: {  	_ =	shalt  }
0x64: {  	_ =	shalt  }
0x65: {  	_ =	shalt  }
0x66: {  	_ =	shalt  }
0x67: {  	_ =	shalt  }
0x68: {  	_ =	shalt  }
0x69: {  	_ =	shalt  }
0x6a: {  	_ =	shalt  }
0x6b: {  	_ =	shalt  }
0x6c: {  	_ =	shalt  }
0x6d: {  	_ =	shalt  }
0x6e: {  	_ =	shalt  }
0x6f: {  	_ =	shalt  }
0x70: {  	_ =	shalt  }
0x71: {  	_ =	shalt  }
0x72: {  	_ =	shalt  }
0x73: {  	_ =	shalt  }
0x74: {  	_ =	shalt  }
0x75: {  	_ =	shalt  }
0x76: {  	_ =	shalt  }
0x77: {  	_ =	shalt  }
0x78: {  	_ =	shalt  }
0x79: {  	_ =	shalt  }
0x7a: {  	_ =	shalt  }
0x7b: {  	_ =	shalt  }
0x7c: {  	_ =	shalt  }
0x7d: {  	_ =	shalt  }
0x7e: {  	_ =	shalt  }
0x7f: {  	_ =	shalt  }
0x80: {  	_ =	shalt  }
0x81: {  	_ =	shalt  }
0x82: {  	_ =	shalt  }
0x83: {  	_ =	shalt  }
0x84: {  	_ =	shalt  }
0x85: {  	_ =	shalt  }
0x86: {  	_ =	shalt  }
0x87: {  	_ =	shalt  }
.Lfunc_end0:
.L_simem_size_0:
called_computation_lowered:
.L_overlay_start_0:
0x88: {  	s2 =	sld [smem:$0x3FD9]  }
0x89: {  	s3 =	sld [smem:$0x3FFE];
	_ =	sdelay $0x1  }
0x8a: {  	s1 =	srdreg.scid  }
0x8b: {  	s0 =	sand.u32 $0x1, s1  }
0x8c: {  	s14 =	sshll.u32 s0, $0xA;
	s2 =	sadd.s32 s3, s2  }
0x8d: {  	s2 =	sadd.s32 s2, s14  }
0x8e: {  	[smem:$0x3FC0] =	sst s2  }
0x8f: {  	_ = 	snop  }
0x90: {  	s2 =	sld [smem:$0x3FD0];
	_ =	sdelay $0x2  }
0x91: {  	s15 =	simm.s32 $0xA;
	s4 =	simm.s32 $0x10  }
0x92: {  	[smem:s4], [sflag:s15] =	dma.local [hbm:s2], $0x1  }
0x93: {  	_ =	swait.eq [sflag:s15], $0x1  }
0x94: {  	[sflag:s15] =	ssyncset.done $0x0  }
0x95: {  	s16 =	sld [smem:$0x10];
	[sflag:s15] =	ssyncadd.s32 $0xFFFFFFFF  }
0x96: {  	s17 =	sld [smem:$0x11];
	(tm) =	ssettm $0x1  }
0x97: {  	s18 =	sld [smem:$0x3FFB];
	_ =	sdelay $0x3  }
0x98: {  	_ =	strace s18  }
0x99: {  	s4 =	sld [smem:$0x3FFC];
	_ =	sdelay $0x3  }
0x9a: {  	_ =	strace s4  }
0x9b: {  	s4 =	sld [smem:$0x3FFD];
	_ =	sdelay $0x3  }
0x9c: {  	_ =	strace s4  }
0x9d: {  	_ =	strace $0x8FFFFFFF  }
0x9e: {  	s19 =	sld [smem:$0x3FDB];
	_ =	sdelay $0x1  }
0x9f: {  	s5 =	simm.s32 $_scs_section_size  }
0xa0: {  	s6 =	simm.s32 $_size__tile_overlayer_lowered;
	s7 =	simm.s32 $_tile_overlayer_lowered  }
0xa1: {  	s22 =	simm.s32 $0x1BFF;
	s21 =	sshll.u32 s7, $0x1;
	s4 =	sadd.s32 s5, s19  }
0xa2: {  	s8 =	simm.s32 $0x0;
	s20 =	sshll.u32 s6, $0x1;
	s6 =	sadd.s32 s21, s4  }
0xa3: {  	[timem:s8], [sflag:s22] =	dma.local [hbm:s6], s20  }
0xa4: {  	_ =	swait.ge [sflag:s22], s20  }
0xa5: {  	s5 =	ssub.s32 $0x0, s20;
	[sflag:s22] =	ssyncset.done $0x0  }
0xa6: {  	[sflag:s22] =	ssyncadd.s32 s5;
	_ =	sdelay $0x1  }
0xa7: {  	s23 =	simm.s32 $0x1B8B  }
0xa8: {  	_ =	swait.ge [sflag:s23], $0x1  }
0xa9: {  	[sflag:s23] =	ssyncset.done $0x0  }
0xaa: {  	s25 =	simm.s32 $0x1B8E;
	s24 =	sld [smem:$0x3FFE];
	[sflag:s23] =	ssyncadd.s32 $0xFFFFFFFF  }
0xab: {  	s26 =	simm.s32 $execute0_lowered;
	[smem:$0x3FD2] =	sst s25  }
0xac: {  	s6 =	sshll.u32 s26, $0x1;
	_ =	strace $0x80000046;
	[dreg:$0x1] =	wrdreg $0xFFFFFFFF  }
0xad: {  	s28 =	simm.s32 $_size_execute0_lowered;
	s4 =	sadd.s32 s4, s6;
	[dreg:$0x0] =	wrdreg $0x0  }
0xae: {  	s6 =	sshll.u32 s28, $0x1;
	[dreg:$0x2] =	wrdreg s4  }
0xaf: {  	[dreg:$0x3] =	wrdreg s6  }
0xb0: {  	[dreg:$0x4] =	wrdreg $0xC0  }
0xb1: {  	_ =	task [dreg:s8], $0x5FFFF  }
0xb2: {  	[dreg:$0x1] =	wrdreg $0xFFFFFFFF  }
0xb3: {  	[dreg:$0x0] =	wrdreg $0x60  }
0xb4: {  	[dreg:$0x2] =	wrdreg s24  }
0xb5: {  	[dreg:$0x3] =	wrdreg s16  }
0xb6: {  	[dreg:$0x4] =	wrdreg s17  }
0xb7: {  	[dreg:$0x5] =	wrdreg $0xA1800  }
0xb8: {  	[dreg:$0x6] =	wrdreg $0x9  }
0xb9: {  	_ =	task.clear_ibuf [dreg:s8], $0x7FFFF;
	_ =	strace $0x90000046  }
0xba: {  	s29 =	simm.s32 $0x9;
	_ =	strace $0x80000048  }
0xbb: {  	_ =	swait.ge [sflag:s29], $0x1  }
0xbc: {  	[sflag:s29] =	ssyncadd.s32 $0xFFFFFFFF  }
0xbd: {  	_ =	strace $0x90000048  }
0xbe: {  	_ =	sfence  }
0xbf: {  	s30 =	sld [smem:$0x0];
	_ =	sdelay $0x2  }
0xc0: {  	s31 =	sshll.u32 s1, $0xD;
	s1 =	sshrl.u32 s1, $0x2  }
0xc1: {  	s3 =	sand.u32 $0x4000, s31;
	s1 =	sadd.s32 s1, s30  }
0xc2: {  	s0 =	sor.u32 s3, s0;
	s1 =	sshll.u32 s1, $0x11  }
0xc3: {  	s0 =	sor.u32 s1, s0  }
0xc4: {  	s0 =	sadd.s32 $0x8F2B, s0  }
0xc5: {  	[sflag:s0] =	ssyncadd.remote.s32 $0x1  }
0xc6: {  	_ =	sfence.sel $0xFFFF  }
0xc7: {  	[dreg:$0x0] =	wrdreg $0xFFFFFFFF;
	(pc) =	sbr.abs _section_cstart, $3  }
0xc8: {  	[dreg:$0x1] =	wrdreg $0xFFFFFFFF  }
0xc9: {  	_ =	task.clear_ibuf [dreg:s8], $0x2FFFF;
	_ =	strace $0x9FFFFFFF  }
0xca: {  	(tm) =	ssettm $0x7FFFFFFF  }
0xcb: {  	_ =	shalt  }
tec
execute0_lowered:
.L_overlay_start_1:
0x0: {  	(tag) =	ssettag $0x1  }
0x1: {  	s0 =	rddreg [dreg:$0x0]  }
0x2: {  	s3 =	rddreg [dreg:$0x1]  }
0x3: {  	s5 =	rddreg [dreg:$0x2]  }
0x4: {  	s1 =	rddreg [dreg:$0x3]  }
0x5: {  	s2 =	simm.s32 $0x0;
	s6 =	srdreg.scid;
	s15 =	stileid.u32  }
0x6: {  	s28 =	simm.s32 $0x80;
	s29 =	simm.s32 $0x100;
	s30 =	simm.s32 $0x4100  }
0x7: {  	s31 =	simm.s32 $0x6100;
	[smem:$0x7FF] =	sst s2;
	s4 =	sadd.s32 $0x1600, s0  }
0x8: {  	s12 =	sand.u32 $0x1, s6;
	s25 =	sadd.s32 $0x1400, s0;
	s6 =	smul.u32 $0x280, s15  }
0x9: {  	s7 =	sadd.s32 $0x79600, s0;
	s11 =	smul.u32 $0x50000, s15;
	s8 =	sadd.s32 $0x29600, s0  }
0xa: {  	p0 =	slt.u32 s15, $0x4;
	s14 =	smin.u32 s15, $0x4;
	s9 =	ssub.s32 $0x2, s12  }
0xb: {  	s20 =	smul.u32 $0x9C0, s15;
	_ =	strace $0x80000047;
	s10 =	sshrl.u32 s9, $0x1  }
0xc: {  	[dreg:$0x5] =	wrdreg s25;
	s16 =	sshrl.u32 s11, $0x2;
	s26 =	ssub.s32 s9, s10  }
0xd: {  	s13 =	smul.u32 $0x2800, s12;
	s10 =	sadd.s32 s16, s1;
	s0 =	smax.u32 s26, $0x1  }
0xe: {  	s14 =	sshll.u32 s14, $0x4;
	s17 =	sadd.s32 $0x2000, s10;
	[dreg:$0x6] =	wrdreg s0  }
0xf: {  	s5 =	sadd.s32 s20, s5;
	s18 =	sadd.s32 $0x4000, s10;
	[dreg:$0x7] =	wrdreg s17  }
0x10: {  	s9 =	simm.s32 $0x9D;
	s19 =	sadd.s32 $0x6000, s10;
	[dreg:$0x8] =	wrdreg s18  }
0x11: {  	s11 =	sadd.s32 s6, s13;
	s21 =	sadd.s32 $0x8000, s10;
	[dreg:$0x9] =	wrdreg s19  }
0x12: {  	s9 =	simm.s32 @!p0 $0x9C;
	s22 =	sadd.s32 $0xA000, s10;
	[dreg:$0xa] =	wrdreg s21  }
0x13: {  	s23 =	sadd.s32 $0xC000, s10;
	s24 =	sadd.s32 $0xE000, s10;
	[dreg:$0xb] =	wrdreg s22  }
.Ltmp0:
0x14: {  	s25 =	sadd.s32 $0x10000, s10;
	[dreg:$0xc] =	wrdreg s23;
	(pc) =	sbr.rel .LBB2_1-.Ltmp0, $4  }
0x15: {  	s26 =	sadd.s32 $0x12000, s10;
	p0 =	sne.s32 s12, $0x0;
	[dreg:$0xd] =	wrdreg s24  }
0x16: {  	s0 =	sadd.s32 s20, s3;
	[dreg:$0xe] =	wrdreg s25;
	s21 =	sadd.s32 s14, s5  }
0x17: {  	[dreg:$0xf] =	wrdreg s26;
	s24 =	simm.s32 $0x8180;
	s25 =	simm.s32 $0x2  }
0x18: {  	v1 =	vimm.f32 $1.000000000e+00;
	v2 =	vimm.f32 $0.0e+00;
	v0 =	vmov s13;
	s3 =	simm.s32 $0x0;
	s22 =	sadd.s32 s14, s0;
	s0 =	simm.s32 $0x1  }
.LBB2_23:
0x19: {  	s3 =	sadd.s32 $0x1, s3;
	s5 =	rddreg [dreg:$0x6]  }
0x1a: {  	p1 =	sne.s32 s3, s5  }
.Ltmp1:
0x1b: {  	_ = 	snop;
	(pc) =	sbr.rel @!p1 .LBB2_24-.Ltmp1, $1  }
0x1c: {  	_ =	sdelay $0x3  }
.LBB2_1:
0x1d: {  	s5 =	simm.s32 $0x0;
	s12 =	simm.s32 $0x200  }
.LBB2_2:
0x1e: {  	p1 =	sne.s32 s12, $0xFE00;
	[tilespmem:s5+$0x170] =	vst v1  }
0x1f: {  	[tilespmem:s5+$0x100] =	vst v1  }
0x20: {  	[tilespmem:s5+$0x110] =	vst v1  }
.Ltmp2:
0x21: {  	[tilespmem:s5+$0x120] =	vst v1;
	(pc) =	sbr.rel @p1 .LBB2_2-.Ltmp2, $4  }
0x22: {  	[tilespmem:s5+$0x130] =	vst v1  }
0x23: {  	[tilespmem:s5+$0x140] =	vst v1  }
0x24: {  	[tilespmem:s5+$0x150] =	vst v1  }
0x25: {  	[tilespmem:s5+$0x160] =	vst v1;
	s5 =	sshra.s32 s12, $0x2;
	s12 =	sadd.s32 $0x200, s12  }
0x26: {  	[tilespmem:s5+$0x170] =	vst v1  }
0x27: {  	[tilespmem:s5+$0x100] =	vst v1  }
0x28: {  	[tilespmem:s5+$0x110] =	vst v1  }
0x29: {  	[tilespmem:s5+$0x120] =	vst v1  }
0x2a: {  	[tilespmem:s5+$0x130] =	vst v1  }
0x2b: {  	[tilespmem:s5+$0x140] =	vst v1  }
0x2c: {  	[tilespmem:s5+$0x150] =	vst v1  }
0x2d: {  	[tilespmem:s5+$0x160] =	vst v1;
	s5 =	simm.s32 $0x0;
	s12 =	simm.s32 $0x200  }
.LBB2_4:
0x2e: {  	p1 =	sne.s32 s12, $0x7E00;
	[tilespmem:s5+$0x81F0] =	vst v2  }
0x2f: {  	[tilespmem:s5+$0x8180] =	vst v2  }
0x30: {  	[tilespmem:s5+$0x8190] =	vst v2  }
.Ltmp3:
0x31: {  	[tilespmem:s5+$0x81A0] =	vst v2;
	(pc) =	sbr.rel @p1 .LBB2_4-.Ltmp3, $4  }
0x32: {  	[tilespmem:s5+$0x81B0] =	vst v2  }
0x33: {  	[tilespmem:s5+$0x81C0] =	vst v2  }
0x34: {  	[tilespmem:s5+$0x81D0] =	vst v2  }
0x35: {  	[tilespmem:s5+$0x81E0] =	vst v2;
	s5 =	sshra.s32 s12, $0x2;
	s12 =	sadd.s32 $0x200, s12  }
0x36: {  	[tilespmem:s5+$0x81F0] =	vst v2  }
0x37: {  	[tilespmem:s5+$0x8180] =	vst v2  }
0x38: {  	[tilespmem:s5+$0x8190] =	vst v2  }
0x39: {  	[tilespmem:s5+$0x81A0] =	vst v2  }
0x3a: {  	[tilespmem:s5+$0x81B0] =	vst v2  }
0x3b: {  	[tilespmem:s5+$0x81C0] =	vst v2  }
0x3c: {  	[tilespmem:s5+$0x81D0] =	vst v2  }
0x3d: {  	[tilespmem:s5+$0x81E0] =	vst v2  }
0x3e: {  	[spmem:s10] =	stream.linear.scatter [tilespmem:s24], [sflag:$0x2], $0x2000, $0x38;
	[tilespmem:$0x1E180] =	vst v63  }
0x3f: {  	_ =	swait.ge [sflag:s25], $0x2000  }
0x40: {  	[sflag:s25] =	ssyncset.done $0x0  }
0x41: {  	s13 =	rddreg [dreg:$0x7];
	[sflag:s25] =	ssyncadd.s32 $0xFFFFE000  }
0x42: {  	[spmem:s13] =	stream.linear.scatter [tilespmem:s24], [sflag:$0x2], $0x2000, $0x38;
	[tilespmem:$0x1E180] =	vst v63  }
0x43: {  	_ =	swait.ge [sflag:s25], $0x2000  }
0x44: {  	[sflag:s25] =	ssyncset.done $0x0  }
0x45: {  	s14 =	rddreg [dreg:$0x8];
	[sflag:s25] =	ssyncadd.s32 $0xFFFFE000  }
0x46: {  	[spmem:s14] =	stream.linear.scatter [tilespmem:s24], [sflag:$0x2], $0x2000, $0x38;
	[tilespmem:$0x1E180] =	vst v63  }
0x47: {  	_ =	swait.ge [sflag:s25], $0x2000  }
0x48: {  	[sflag:s25] =	ssyncset.done $0x0  }
0x49: {  	s15 =	rddreg [dreg:$0x9];
	[sflag:s25] =	ssyncadd.s32 $0xFFFFE000  }
0x4a: {  	[spmem:s15] =	stream.linear.scatter [tilespmem:s24], [sflag:$0x2], $0x2000, $0x38;
	[tilespmem:$0x1E180] =	vst v63  }
0x4b: {  	_ =	swait.ge [sflag:s25], $0x2000  }
0x4c: {  	[sflag:s25] =	ssyncset.done $0x0  }
0x4d: {  	s16 =	rddreg [dreg:$0xa];
	[sflag:s25] =	ssyncadd.s32 $0xFFFFE000  }
0x4e: {  	[spmem:s16] =	stream.linear.scatter [tilespmem:s24], [sflag:$0x2], $0x2000, $0x38;
	[tilespmem:$0x1E180] =	vst v63  }
0x4f: {  	_ =	swait.ge [sflag:s25], $0x2000  }
0x50: {  	[sflag:s25] =	ssyncset.done $0x0  }
0x51: {  	s17 =	rddreg [dreg:$0xb];
	[sflag:s25] =	ssyncadd.s32 $0xFFFFE000  }
0x52: {  	[spmem:s17] =	stream.linear.scatter [tilespmem:s24], [sflag:$0x2], $0x2000, $0x38;
	[tilespmem:$0x1E180] =	vst v63  }
0x53: {  	_ =	swait.ge [sflag:s25], $0x2000  }
0x54: {  	[sflag:s25] =	ssyncset.done $0x0  }
0x55: {  	s18 =	rddreg [dreg:$0xc];
	[sflag:s25] =	ssyncadd.s32 $0xFFFFE000  }
0x56: {  	[spmem:s18] =	stream.linear.scatter [tilespmem:s24], [sflag:$0x2], $0x2000, $0x38;
	[tilespmem:$0x1E180] =	vst v63  }
0x57: {  	_ =	swait.ge [sflag:s25], $0x2000  }
0x58: {  	[sflag:s25] =	ssyncset.done $0x0  }
0x59: {  	s19 =	rddreg [dreg:$0xd];
	[sflag:s25] =	ssyncadd.s32 $0xFFFFE000  }
0x5a: {  	[spmem:s19] =	stream.linear.scatter [tilespmem:s24], [sflag:$0x2], $0x2000, $0x38;
	[tilespmem:$0x1E180] =	vst v63  }
0x5b: {  	_ =	swait.ge [sflag:s25], $0x2000  }
0x5c: {  	[sflag:s25] =	ssyncset.done $0x0  }
0x5d: {  	s20 =	rddreg [dreg:$0xe];
	[sflag:s25] =	ssyncadd.s32 $0xFFFFE000  }
0x5e: {  	[spmem:s20] =	stream.linear.scatter [tilespmem:s24], [sflag:$0x2], $0x2000, $0x38;
	[tilespmem:$0x1E180] =	vst v63  }
0x5f: {  	_ =	swait.ge [sflag:s25], $0x2000  }
0x60: {  	[sflag:s25] =	ssyncset.done $0x0  }
0x61: {  	s23 =	rddreg [dreg:$0xf];
	[sflag:s25] =	ssyncadd.s32 $0xFFFFE000  }
0x62: {  	[spmem:s23] =	stream.linear.scatter [tilespmem:s24], [sflag:$0x2], $0x2000, $0x38;
	[tilespmem:$0x1E180] =	vst v63  }
0x63: {  	_ =	swait.ge [sflag:s25], $0x2000  }
0x64: {  	[sflag:s25] =	ssyncset.done $0x0  }
0x65: {  	s12 =	simm.s32 $0x8100;
	s26 =	rddreg [dreg:$0x5];
	[sflag:s25] =	ssyncadd.s32 $0xFFFFE000  }
0x66: {  	[tilespmem:s12], [sflag:$0x2] =	stream.linear.gather [hbm4b:s26+s2], $0x80, $0x38;
	[tilespmem:$0x1E180] =	vst v63  }
0x67: {  	_ =	swait.ge [sflag:s25], $0x80  }
0x68: {  	[sflag:s25] =	ssyncset.done $0x0  }
0x69: {  	[sflag:s25] =	ssyncadd.s32 $0xFFFFFF80  }
0x6a: {  	[bflag:$0x0] =	sbarrier.arrive $0xFFFF  }
0x6b: {  	[tilespmem:s28], [sflag:$0x2] =	stream.linear.gather [hbm4b:s21+s2], $0x80, $0x38;
	[tilespmem:$0x1E180] =	vst v63  }
0x6c: {  	p1 =	sne.s32 s9, $0x1;
	_ =	swait.ge [sflag:s25], $0x80  }
.Ltmp4:
0x6d: {  	[sflag:s25] =	ssyncset.done $0x0;
	(pc) =	sbr.rel @!p1 .LBB2_7-.Ltmp4, $4  }
0x6e: {  	[sflag:s25] =	ssyncadd.s32 $0xFFFFFF80  }
0x6f: {  	[spmem:s1] =	stream.indirect.scatter.add.f32 [tilespmem:s29], [sflag:$0x2], $0x80, s28, s28, $0xb8;
	[tilespmem:$0x1E180] =	vst v63  }
0x70: {  	_ =	swait.ge [sflag:s25], $0x4000  }
0x71: {  	s5 =	sadd.s32 $0xFFFFFFFF, s9;
	s12 =	smov.u32 s21;
	[sflag:s25] =	ssyncset.done $0x0  }
.LBB2_6:
0x72: {  	p2 =	sne.s32 s5, $0x1;
	[sflag:s25] =	ssyncadd.s32 $0xFFFFC000;
	s12 =	sadd.s32 $0x10, s12  }
0x73: {  	[tilespmem:s28], [sflag:$0x2] =	stream.linear.gather [hbm4b:s12+s2], $0x80, $0x38;
	[tilespmem:$0x1E180] =	vst v63  }
0x74: {  	s5 =	sadd.s32 $0xFFFFFFFF, s5;
	_ =	swait.ge [sflag:s25], $0x80  }
.Ltmp5:
0x75: {  	[sflag:s25] =	ssyncset.done $0x0;
	(pc) =	sbr.rel @p2 .LBB2_6-.Ltmp5, $4  }
0x76: {  	[sflag:s25] =	ssyncadd.s32 $0xFFFFFF80  }
0x77: {  	[spmem:s1] =	stream.indirect.scatter.add.f32 [tilespmem:s29], [sflag:$0x2], $0x80, s28, s28, $0xb8;
	[tilespmem:$0x1E180] =	vst v63  }
0x78: {  	_ =	swait.ge [sflag:s25], $0x4000  }
0x79: {  	[sflag:s25] =	ssyncset.done $0x0  }
.LBB2_7:
0x7a: {  	[sflag:s25] =	ssyncadd.s32 $0xFFFFC000  }
0x7b: {  	s26 =	simm.s32 $0x0;
	s5 =	simm.s32 $0x0;
	[bflag:$0x0] =	sbarrier.arrive $0xFFFF  }
.LBB2_8:
0x7c: {  	s12 =	sshll.u32 s5, $0x6  }
0x7d: {  	s13 =	sadd.s32 s6, s12  }
0x7e: {  	s14 =	sshll.u32 s13, $0x4  }
0x7f: {  	s14 =	sadd.s32 s4, s14  }
0x80: {  	[tilespmem:s30], [sflag:$0x2] =	stream.linear.gather [hbm4b:s14+s26], $0x2000, $0x38;
	[tilespmem:$0x1E180] =	vst v63  }
0x81: {  	s13 =	sshll.u32 s13, $0x7;
	_ =	swait.ge [sflag:s25], $0x2000  }
0x82: {  	s13 =	sand.u32 $0x3FFFFF80, s13;
	[sflag:s25] =	ssyncset.done $0x0  }
0x83: {  	s13 =	sadd.s32 s13, s1;
	[sflag:s25] =	ssyncadd.s32 $0xFFFFE000  }
0x84: {  	[tilespmem:s31], [sflag:$0x2] =	stream.linear.gather [spmem:s13], $0x2000, $0x38;
	[tilespmem:$0x1E180] =	vst v63  }
0x85: {  	_ =	swait.ge [sflag:s25], $0x2000  }
0x86: {  	[sflag:s25] =	ssyncset.done $0x0  }
0x87: {  	s18 =	simm.s32 $0x0;
	[sflag:s25] =	ssyncadd.s32 $0xFFFFE000  }
0x88: {  	v3 =	vld [tilespmem:s18+$0x6100];
	_ =	sdelay $0x4  }
0x89: {  	v3 =	vadd.f32 $1.000000000e+00, v3  }
0x8a: {  	s17 =	simm.s32 $0x80  }
0x8b: {  	v5 =	vld [tilespmem:s17+$0x6100];
	v4 =	vshra.s32 v3, $0x1;
	v3 =	vmul.f32 $5.000000000e-01, v3  }
0x8c: {  	v4 =	vsub.s32 $0x5F3759DF, v4  }
0x8d: {  	v6 =	vmul.f32 v4, v3;
	_ =	sdelay $0x1  }
0x8e: {  	v6 =	vmul.f32 v4, v6  }
0x8f: {  	v5 =	vadd.f32 $1.000000000e+00, v5  }
0x90: {  	v6 =	vsub.f32 $1.500000000e+00, v6  }
0x91: {  	v7 =	vshra.s32 v5, $0x1;
	v15 =	vmul.f32 $5.000000000e-01, v5  }
0x92: {  	s16 =	simm.s32 $0x100;
	v5 =	vsub.s32 $0x5F3759DF, v7;
	v4 =	vmul.f32 v4, v6  }
0x93: {  	v7 =	vmul.f32 v5, v15;
	v6 =	vld [tilespmem:s16+$0x6100]  }
0x94: {  	v8 =	vmul.f32 v4, v3  }
0x95: {  	v7 =	vmul.f32 v5, v7  }
0x96: {  	v8 =	vmul.f32 v8, v4  }
0x97: {  	v7 =	vsub.f32 $1.500000000e+00, v7  }
0x98: {  	v6 =	vadd.f32 $1.000000000e+00, v6;
	v8 =	vsub.f32 $1.500000000e+00, v8  }
0x99: {  	s15 =	simm.s32 $0x180;
	v7 =	vmul.f32 v5, v7  }
0x9a: {  	v9 =	vshra.s32 v6, $0x1;
	v5 =	vmul.f32 $5.000000000e-01, v6;
	v6 =	vld [tilespmem:s15+$0x6100];
	v4 =	vmul.f32 v8, v4  }
0x9b: {  	s14 =	simm.s32 $0x200;
	v9 =	vsub.s32 $0x5F3759DF, v9;
	v8 =	vmul.f32 v7, v15  }
0x9c: {  	v10 =	vld [tilespmem:s14+$0x6100];
	v11 =	vmul.f32 v9, v5;
	v3 =	vmul.f32 v4, v3  }
0x9d: {  	v8 =	vmul.f32 v8, v7  }
0x9e: {  	v11 =	vmul.f32 v9, v11;
	v3 =	vmul.f32 v3, v4  }
0x9f: {  	v14 =	vld [tilespmem:s18+$0x4100];
	v6 =	vadd.f32 $1.000000000e+00, v6;
	v8 =	vsub.f32 $1.500000000e+00, v8  }
0xa0: {  	v12 =	vld [tilespmem:s18+$0x4130];
	v13 =	vsub.f32 $1.500000000e+00, v11;
	v16 =	vsub.f32 $1.500000000e+00, v3  }
0xa1: {  	v17 =	vadd.f32 $1.000000000e+00, v10;
	v11 =	vld [tilespmem:s18+$0x4150];
	v3 =	vmul.f32 $5.000000000e-01, v6;
	v8 =	vmul.f32 v8, v7  }
0xa2: {  	v7 =	vshra.s32 v6, $0x1;
	v6 =	vmul.f32 v9, v13;
	v13 =	vld [tilespmem:s18+$0x4140];
	v10 =	vmul.f32 v16, v4  }
0xa3: {  	s19 =	simm.s32 $0xA00;
	v9 =	vshra.s32 v17, $0x1;
	v4 =	vmul.f32 $5.000000000e-01, v17;
	v16 =	vmul.f32 v8, v15;
	v15 =	vld [tilespmem:s18+$0x4110]  }
.LBB2_9:
0xa4: {  	s20 =	sshra.s32 s19, $0x2;
	p2 =	sne.s32 s19, $0x7E00;
	s19 =	sadd.s32 $0x200, s19;
	v17 =	vsub.s32 $0x5F3759DF, v7;
	v18 =	vmul.f32 v6, v5;
	v14 =	vmul.f32 v10, v14;
	v19 =	vld [tilespmem:s18+$0x4120];
	[tilespmem:s18+$0x4160] =	vst v10;
	v7 =	vmovc v9  }
0xa5: {  	v21 =	vmovc v3;
	s23 =	smov.u32 s15;
	s15 =	smov.u32 s14;
	v9 =	vld [tilespmem:s20+$0x6100];
	v20 =	vmul.f32 v17, v3;
	v16 =	vmul.f32 v16, v8;
	v3 =	vmov v4;
	s14 =	smov.u32 s20  }
0xa6: {  	v11 =	vmul.f32 v10, v11;
	v4 =	vmul.f32 v18, v6;
	[tilespmem:s18+$0x4100] =	vst v14  }
0xa7: {  	v12 =	vmul.f32 v10, v12;
	v18 =	vmul.f32 v17, v20  }
.Ltmp6:
0xa8: {  	v13 =	vmul.f32 v10, v13;
	v4 =	vsub.f32 $1.500000000e+00, v4;
	v14 =	vld [tilespmem:s17+$0x4100];
	v15 =	vmul.f32 v10, v15;
	[tilespmem:s18+$0x4150] =	vst v11;
	(pc) =	sbr.rel @p2 .LBB2_9-.Ltmp6, $4  }
0xa9: {  	v16 =	vsub.f32 $1.500000000e+00, v16;
	v18 =	vsub.f32 $1.500000000e+00, v18;
	v11 =	vld [tilespmem:s17+$0x4150];
	v19 =	vmul.f32 v10, v19;
	[tilespmem:s18+$0x4130] =	vst v12  }
0xaa: {  	v20 =	vadd.f32 $1.000000000e+00, v9;
	v22 =	vmul.f32 v4, v6;
	v12 =	vld [tilespmem:s17+$0x4130];
	[tilespmem:s18+$0x4140] =	vst v13  }
0xab: {  	v10 =	vmul.f32 v16, v8;
	v6 =	vmul.f32 v17, v18;
	v13 =	vld [tilespmem:s17+$0x4140];
	[tilespmem:s18+$0x4110] =	vst v15  }
0xac: {  	v9 =	vshra.s32 v20, $0x1;
	v4 =	vmul.f32 $5.000000000e-01, v20;
	v16 =	vmul.f32 v22, v5;
	v15 =	vld [tilespmem:s17+$0x4110];
	[tilespmem:s18+$0x4120] =	vst v19;
	v8 =	vmovc v22;
	v5 =	vmovc v21;
	s18 =	smov.u32 s17;
	s17 =	smov.u32 s16;
	s16 =	smov.u32 s23  }
0xad: {  	v14 =	vmul.f32 v10, v14  }
0xae: {  	[tilespmem:s18+$0x4160] =	vst v10;
	v18 =	vmul.f32 v6, v5;
	v11 =	vmul.f32 v10, v11  }
0xaf: {  	v17 =	vld [tilespmem:s18+$0x4120];
	v7 =	vsub.s32 $0x5F3759DF, v7;
	v28 =	vmul.f32 v16, v8;
	[tilespmem:s18+$0x4100] =	vst v14;
	v12 =	vmul.f32 v10, v12  }
0xb0: {  	v36 =	vmul.f32 v7, v3;
	v14 =	vld [tilespmem:s17+$0x4100];
	[tilespmem:s18+$0x4150] =	vst v11;
	v13 =	vmul.f32 v10, v13  }
0xb1: {  	v33 =	vmul.f32 v18, v6;
	v11 =	vld [tilespmem:s17+$0x4150];
	[tilespmem:s18+$0x4130] =	vst v12;
	v15 =	vmul.f32 v10, v15  }
0xb2: {  	v29 =	vld [tilespmem:s17+$0x4130];
	[tilespmem:s18+$0x4140] =	vst v13  }
0xb3: {  	v40 =	vmul.f32 v7, v36;
	v12 =	vsub.f32 $1.500000000e+00, v28;
	v13 =	vld [tilespmem:s17+$0x4140];
	[tilespmem:s18+$0x4110] =	vst v15;
	v15 =	vsub.f32 $1.500000000e+00, v33  }
0xb4: {  	v30 =	vmul.f32 v10, v17  }
0xb5: {  	v31 =	vmul.f32 v12, v8;
	v38 =	vmul.f32 v15, v6;
	v15 =	vsub.f32 $1.500000000e+00, v40  }
0xb6: {  	v32 =	vld [tilespmem:s17+$0x4110]  }
0xb7: {  	v9 =	vsub.s32 $0x5F3759DF, v9;
	[tilespmem:s18+$0x4120] =	vst v30;
	v34 =	vmul.f32 v31, v14;
	v7 =	vmul.f32 v7, v15  }
0xb8: {  	v46 =	vmul.f32 v9, v4;
	[tilespmem:s17+$0x4160] =	vst v31;
	v37 =	vmul.f32 v31, v11  }
0xb9: {  	v35 =	vld [tilespmem:s17+$0x4120];
	[tilespmem:s17+$0x4100] =	vst v34;
	v16 =	vmul.f32 v31, v29;
	v15 =	vmul.f32 v7, v3  }
0xba: {  	v41 =	vmul.f32 v38, v5;
	v39 =	vld [tilespmem:s16+$0x4100];
	[tilespmem:s17+$0x4150] =	vst v37;
	v13 =	vmul.f32 v31, v13  }
0xbb: {  	v10 =	vld [tilespmem:s16+$0x4150];
	[tilespmem:s17+$0x4130] =	vst v16;
	v12 =	vmul.f32 v31, v32;
	v43 =	vmul.f32 v15, v7  }
0xbc: {  	v5 =	vmul.f32 v41, v38;
	v16 =	vld [tilespmem:s16+$0x4130];
	[tilespmem:s17+$0x4140] =	vst v13  }
0xbd: {  	v49 =	vmul.f32 v9, v46;
	v13 =	vld [tilespmem:s16+$0x4140];
	[tilespmem:s17+$0x4110] =	vst v12;
	v12 =	vsub.f32 $1.500000000e+00, v43  }
0xbe: {  	v5 =	vsub.f32 $1.500000000e+00, v5  }
0xbf: {  	v7 =	vmul.f32 v12, v7;
	v12 =	vsub.f32 $1.500000000e+00, v49  }
0xc0: {  	v8 =	vmul.f32 v31, v35;
	v5 =	vmul.f32 v5, v38  }
0xc1: {  	v3 =	vmul.f32 v7, v3;
	v9 =	vmul.f32 v9, v12  }
0xc2: {  	v42 =	vld [tilespmem:s16+$0x4110];
	[tilespmem:s17+$0x4120] =	vst v8;
	v44 =	vmul.f32 v5, v39;
	v47 =	vmul.f32 v5, v10  }
0xc3: {  	v45 =	vld [tilespmem:s16+$0x4120];
	[tilespmem:s16+$0x4160] =	vst v5;
	v3 =	vmul.f32 v3, v7;
	v52 =	vmul.f32 v9, v4  }
0xc4: {  	v50 =	vmul.f32 v5, v16;
	[tilespmem:s16+$0x4100] =	vst v44  }
0xc5: {  	v13 =	vmul.f32 v5, v13;
	v48 =	vld [tilespmem:s15+$0x4100];
	[tilespmem:s16+$0x4150] =	vst v47;
	v3 =	vsub.f32 $1.500000000e+00, v3;
	v53 =	vmul.f32 v52, v9  }
0xc6: {  	v8 =	vld [tilespmem:s15+$0x4150];
	[tilespmem:s16+$0x4130] =	vst v50  }
0xc7: {  	v6 =	vmul.f32 v5, v42;
	v14 =	vld [tilespmem:s15+$0x4130];
	[tilespmem:s16+$0x4140] =	vst v13;
	v3 =	vmul.f32 v3, v7;
	v7 =	vsub.f32 $1.500000000e+00, v53  }
0xc8: {  	v5 =	vmul.f32 v5, v45;
	v51 =	vld [tilespmem:s15+$0x4140]  }
0xc9: {  	[tilespmem:s16+$0x4110] =	vst v6;
	v7 =	vmul.f32 v7, v9  }
0xca: {  	v6 =	vld [tilespmem:s15+$0x4110];
	[tilespmem:s16+$0x4120] =	vst v5;
	v54 =	vmul.f32 v3, v48  }
0xcb: {  	v55 =	vld [tilespmem:s15+$0x4120];
	[tilespmem:s15+$0x4160] =	vst v3;
	v56 =	vmul.f32 v3, v8;
	v59 =	vmul.f32 v7, v4  }
0xcc: {  	v58 =	vmul.f32 v3, v14;
	[tilespmem:s15+$0x4100] =	vst v54  }
0xcd: {  	v60 =	vmul.f32 v3, v51;
	v57 =	vld [tilespmem:s14+$0x4100];
	[tilespmem:s15+$0x4150] =	vst v56;
	v4 =	vmul.f32 v59, v7  }
0xce: {  	v5 =	vld [tilespmem:s14+$0x4150];
	[tilespmem:s15+$0x4130] =	vst v58  }
0xcf: {  	v6 =	vmul.f32 v3, v6;
	v9 =	vld [tilespmem:s14+$0x4130];
	[tilespmem:s15+$0x4140] =	vst v60;
	v4 =	vsub.f32 $1.500000000e+00, v4  }
0xd0: {  	v3 =	vmul.f32 v3, v55;
	v11 =	vld [tilespmem:s14+$0x4140]  }
0xd1: {  	[tilespmem:s15+$0x4110] =	vst v6;
	v4 =	vmul.f32 v4, v7  }
0xd2: {  	v6 =	vld [tilespmem:s14+$0x4110];
	[tilespmem:s15+$0x4120] =	vst v3  }
0xd3: {  	v61 =	vld [tilespmem:s14+$0x4120];
	v3 =	vmul.f32 v4, v57  }
0xd4: {  	[tilespmem:s14+$0x4160] =	vst v4;
	v5 =	vmul.f32 v4, v5  }
0xd5: {  	v62 =	vmul.f32 v4, v11;
	[tilespmem:s14+$0x4100] =	vst v3  }
0xd6: {  	v3 =	vmul.f32 v4, v9;
	[tilespmem:s14+$0x4150] =	vst v5  }
0xd7: {  	v63 =	vmul.f32 v4, v6;
	[tilespmem:s14+$0x4140] =	vst v62  }
0xd8: {  	s12 =	sadd.s32 s12, s11;
	[tilespmem:s14+$0x4130] =	vst v3;
	v3 =	vmul.f32 v4, v61  }
0xd9: {  	s12 =	sshll.u32 s12, $0x4;
	[tilespmem:s14+$0x4110] =	vst v63  }
0xda: {  	s12 =	sadd.s32 s8, s12;
	[tilespmem:s14+$0x4120] =	vst v3  }
0xdb: {  	[hbm4b:s12+s2] =	stream.linear.scatter [tilespmem:s30], [sflag:$0x2], $0x2000, $0x38;
	[tilespmem:$0x1E180] =	vst v63  }
0xdc: {  	s5 =	sadd.s32 $0x1, s5;
	_ =	swait.ge [sflag:s25], $0x2000  }
0xdd: {  	p2 =	sne.s32 s5, $0xA;
	[sflag:s25] =	ssyncset.done $0x0  }
.Ltmp7:
0xde: {  	[sflag:s25] =	ssyncadd.s32 $0xFFFFE000;
	(pc) =	sbr.rel @p2 .LBB2_8-.Ltmp7, $4  }
0xdf: {  	[spmem:s13] =	stream.linear.scatter [tilespmem:s24], [sflag:$0x2], $0x2000, $0x38;
	[tilespmem:$0x1E180] =	vst v63  }
0xe0: {  	_ =	swait.ge [sflag:s25], $0x2000  }
0xe1: {  	[sflag:s25] =	ssyncset.done $0x0  }
0xe2: {  	[sflag:s25] =	ssyncadd.s32 $0xFFFFE000  }
0xe3: {  	[bflag:$0x0] =	sbarrier.arrive $0xFFFF  }
0xe4: {  	[tilespmem:s2], [sflag:$0x2] =	stream.linear.gather [hbm4b:s22+s2], $0x80, $0x38;
	[tilespmem:$0x1E180] =	vst v63  }
0xe5: {  	_ =	swait.ge [sflag:s25], $0x80  }
0xe6: {  	[sflag:s25] =	ssyncset.done $0x0  }
0xe7: {  	[sflag:s25] =	ssyncadd.s32 $0xFFFFFF80  }
0xe8: {  	[tilespmem:s28], [sflag:$0x2] =	stream.linear.gather [hbm4b:s21+s2], $0x80, $0x38;
	[tilespmem:$0x1E180] =	vst v63  }
0xe9: {  	_ =	swait.ge [sflag:s25], $0x80  }
0xea: {  	[sflag:s25] =	ssyncset.done $0x0  }
0xeb: {  	[sflag:s25] =	ssyncadd.s32 $0xFFFFFF80  }
0xec: {  	v3 =	vld [tilespmem:$0x70]  }
0xed: {  	v4 =	vld [tilespmem:$0x60]  }
0xee: {  	v5 =	vld [tilespmem:$0x50]  }
0xef: {  	v6 =	vld [tilespmem:$0x30]  }
0xf0: {  	v7 =	vld [tilespmem:$0x20]  }
0xf1: {  	v8 =	vld [tilespmem:$0x10];
	v3 =	vadd.s32 v0, v3  }
0xf2: {  	v9 =	vld [tilespmem:$0x40];
	v4 =	vadd.s32 v0, v4;
	[tilespmem:$0x70] =	vst v3  }
0xf3: {  	v5 =	vadd.s32 v0, v5;
	v3 =	vld [tilespmem:$0x0];
	[tilespmem:$0x60] =	vst v4  }
0xf4: {  	v60 =	vadd.s32 v0, v6;
	[tilespmem:$0x50] =	vst v5  }
.Ltmp8:
0xf5: {  	v61 =	vadd.s32 v0, v7;
	[tilespmem:$0x30] =	vst v60;
	(pc) =	sbr.rel @!p1 .LBB2_13-.Ltmp8, $4  }
0xf6: {  	v62 =	vadd.s32 v0, v8;
	[tilespmem:$0x20] =	vst v61  }
0xf7: {  	v63 =	vadd.s32 v0, v9;
	[tilespmem:$0x10] =	vst v62  }
0xf8: {  	[tilespmem:$0x40] =	vst v63;
	v3 =	vadd.s32 v0, v3  }
0xf9: {  	s5 =	sadd.s32 $0xFFFFFFFF, s9;
	s12 =	sadd.s32 $0x10, s21;
	s13 =	sadd.s32 $0x10, s22;
	[tilespmem:$0x0] =	vst v3  }
.LBB2_12:
0xfa: {  	[tilespmem:s29], [sflag:$0x1] =	stream.indirect.gather [hbm4b:s8+s28], $0x80, s2, s28, $0xb8;
	[tilespmem:$0x1E180] =	vst v63  }
0xfb: {  	p2 =	sne.s32 s5, $0x1;
	s5 =	sadd.s32 $0xFFFFFFFF, s5;
	_ =	swait.ge [sflag:s0], $0x4000  }
0xfc: {  	[sflag:s0] =	ssyncset.done $0x0  }
0xfd: {  	[sflag:s0] =	ssyncadd.s32 $0xFFFFC000  }
0xfe: {  	[spmem:s1] =	stream.indirect.scatter.add.f32 [tilespmem:s29], [sflag:$0x2], $0x80, s28, s28, $0xb8;
	[tilespmem:$0x1E180] =	vst v63  }
0xff: {  	_ =	swait.ge [sflag:s25], $0x4000  }
0x100: {  	[sflag:s25] =	ssyncset.done $0x0  }
0x101: {  	[sflag:s25] =	ssyncadd.s32 $0xFFFFC000  }
0x102: {  	[tilespmem:s2], [sflag:$0x2] =	stream.linear.gather [hbm4b:s13+s2], $0x80, $0x38;
	[tilespmem:$0x1E180] =	vst v63  }
0x103: {  	_ =	swait.ge [sflag:s25], $0x80  }
0x104: {  	[sflag:s25] =	ssyncset.done $0x0  }
0x105: {  	[sflag:s25] =	ssyncadd.s32 $0xFFFFFF80  }
0x106: {  	[tilespmem:s28], [sflag:$0x2] =	stream.linear.gather [hbm4b:s12+s2], $0x80, $0x38;
	[tilespmem:$0x1E180] =	vst v63  }
0x107: {  	_ =	swait.ge [sflag:s25], $0x80  }
0x108: {  	[sflag:s25] =	ssyncset.done $0x0  }
0x109: {  	[sflag:s25] =	ssyncadd.s32 $0xFFFFFF80  }
0x10a: {  	v3 =	vld [tilespmem:$0x70]  }
0x10b: {  	v4 =	vld [tilespmem:$0x60]  }
0x10c: {  	v5 =	vld [tilespmem:$0x50]  }
0x10d: {  	v6 =	vld [tilespmem:$0x30]  }
0x10e: {  	v7 =	vld [tilespmem:$0x20]  }
0x10f: {  	v8 =	vld [tilespmem:$0x10];
	v3 =	vadd.s32 v0, v3  }
0x110: {  	v9 =	vld [tilespmem:$0x40];
	v4 =	vadd.s32 v0, v4;
	[tilespmem:$0x70] =	vst v3  }
0x111: {  	v3 =	vld [tilespmem:$0x0];
	v5 =	vadd.s32 v0, v5;
	[tilespmem:$0x60] =	vst v4  }
0x112: {  	v4 =	vadd.s32 v0, v6;
	[tilespmem:$0x50] =	vst v5  }
.Ltmp9:
0x113: {  	v5 =	vadd.s32 v0, v7;
	[tilespmem:$0x30] =	vst v4;
	(pc) =	sbr.rel @p2 .LBB2_12-.Ltmp9, $4  }
0x114: {  	v4 =	vadd.s32 v0, v8;
	[tilespmem:$0x20] =	vst v5  }
0x115: {  	[tilespmem:$0x10] =	vst v4;
	v4 =	vadd.s32 v0, v9  }
0x116: {  	v3 =	vadd.s32 v0, v3;
	[tilespmem:$0x40] =	vst v4  }
0x117: {  	s13 =	sadd.s32 $0x10, s13;
	s12 =	sadd.s32 $0x10, s12;
	[tilespmem:$0x0] =	vst v3  }
.LBB2_13:
0x118: {  	[tilespmem:s29], [sflag:$0x1] =	stream.indirect.gather [hbm4b:s8+s28], $0x80, s2, s28, $0xb8;
	[tilespmem:$0x1E180] =	vst v63  }
0x119: {  	_ =	swait.ge [sflag:s0], $0x4000  }
0x11a: {  	[sflag:s0] =	ssyncset.done $0x0  }
0x11b: {  	[sflag:s0] =	ssyncadd.s32 $0xFFFFC000  }
0x11c: {  	[spmem:s1] =	stream.indirect.scatter.add.f32 [tilespmem:s29], [sflag:$0x2], $0x80, s28, s28, $0xb8;
	[tilespmem:$0x1E180] =	vst v63  }
0x11d: {  	_ =	swait.ge [sflag:s25], $0x4000  }
0x11e: {  	[sflag:s25] =	ssyncset.done $0x0  }
0x11f: {  	[sflag:s25] =	ssyncadd.s32 $0xFFFFC000  }
0x120: {  	s5 =	simm.s32 $0x0;
	s26 =	simm.s32 $0x0;
	[bflag:$0x0] =	sbarrier.arrive $0xFFFF  }
.LBB2_14:
0x121: {  	s13 =	sshll.u32 s26, $0x6  }
0x122: {  	s12 =	sadd.s32 s6, s13  }
0x123: {  	s12 =	sshll.u32 s12, $0x7  }
0x124: {  	s12 =	sand.u32 $0x3FFFFF80, s12  }
0x125: {  	s12 =	sadd.s32 s12, s1  }
0x126: {  	[tilespmem:s30], [sflag:$0x2] =	stream.linear.gather [spmem:s12], $0x2000, $0x38;
	[tilespmem:$0x1E180] =	vst v63  }
0x127: {  	s13 =	sadd.s32 s13, s11;
	_ =	swait.ge [sflag:s25], $0x2000  }
0x128: {  	s13 =	sshll.u32 s13, $0x4;
	[sflag:s25] =	ssyncset.done $0x0  }
0x129: {  	s13 =	sadd.s32 s8, s13;
	[sflag:s25] =	ssyncadd.s32 $0xFFFFE000  }
0x12a: {  	[tilespmem:s31], [sflag:$0x2] =	stream.linear.gather [hbm4b:s13+s5], $0x2000, $0x38;
	[tilespmem:$0x1E180] =	vst v63  }
0x12b: {  	_ =	swait.ge [sflag:s25], $0x2000  }
0x12c: {  	[sflag:s25] =	ssyncset.done $0x0  }
0x12d: {  	s14 =	simm.s32 $0x0;
	[sflag:s25] =	ssyncadd.s32 $0xFFFFE000  }
0x12e: {  	v4 =	vld [tilespmem:s14+$0x4100]  }
0x12f: {  	v5 =	vld [tilespmem:s14+$0x6100];
	_ =	sdelay $0x1  }
0x130: {  	v3 =	vld [tilespmem:s14+$0x6160];
	_ =	sdelay $0x1  }
0x131: {  	v6 =	vld [tilespmem:$0x8100]  }
0x132: {  	v4 =	vadd.f32 v5, v4;
	_ =	sdelay $0x1  }
0x133: {  	v4 =	vmul.f32 v4, v3;
	_ =	sdelay $0x1  }
0x134: {  	v4 =	vadd.f32 v4, v6  }
0x135: {  	v5 =	vld [tilespmem:s14+$0x4110]  }
0x136: {  	v6 =	vld [tilespmem:s14+$0x6110];
	v4 =	vmax.f32 v4, $0.0e+00  }
0x137: {  	v4 =	vmul.f32 v4, v3;
	_ =	sdelay $0x1  }
0x138: {  	[tilespmem:s14+$0x6100] =	vst v4  }
0x139: {  	v4 =	vld [tilespmem:$0x8110]  }
0x13a: {  	v5 =	vadd.f32 v6, v5;
	_ =	sdelay $0x1  }
0x13b: {  	v5 =	vmul.f32 v5, v3;
	_ =	sdelay $0x1  }
0x13c: {  	v4 =	vadd.f32 v5, v4  }
0x13d: {  	v6 =	vld [tilespmem:s14+$0x6120]  }
0x13e: {  	v5 =	vld [tilespmem:s14+$0x4120];
	v4 =	vmax.f32 v4, $0.0e+00  }
0x13f: {  	v4 =	vmul.f32 v4, v3;
	_ =	sdelay $0x1  }
0x140: {  	[tilespmem:s14+$0x6110] =	vst v4  }
0x141: {  	v4 =	vld [tilespmem:$0x8120]  }
0x142: {  	v5 =	vadd.f32 v6, v5;
	_ =	sdelay $0x1  }
0x143: {  	v5 =	vmul.f32 v5, v3;
	_ =	sdelay $0x1  }
0x144: {  	v4 =	vadd.f32 v5, v4  }
0x145: {  	v6 =	vld [tilespmem:s14+$0x6130]  }
0x146: {  	v5 =	vld [tilespmem:s14+$0x4130];
	v4 =	vmax.f32 v4, $0.0e+00  }
0x147: {  	v4 =	vmul.f32 v4, v3;
	_ =	sdelay $0x1  }
0x148: {  	[tilespmem:s14+$0x6120] =	vst v4  }
0x149: {  	v4 =	vld [tilespmem:$0x8130]  }
0x14a: {  	v5 =	vadd.f32 v6, v5;
	_ =	sdelay $0x1  }
0x14b: {  	v5 =	vmul.f32 v5, v3;
	_ =	sdelay $0x1  }
0x14c: {  	v4 =	vadd.f32 v5, v4  }
0x14d: {  	v6 =	vld [tilespmem:s14+$0x6140]  }
0x14e: {  	v5 =	vld [tilespmem:s14+$0x4140];
	v4 =	vmax.f32 v4, $0.0e+00  }
0x14f: {  	v4 =	vmul.f32 v4, v3;
	_ =	sdelay $0x1  }
0x150: {  	[tilespmem:s14+$0x6130] =	vst v4  }
0x151: {  	v4 =	vld [tilespmem:$0x8140]  }
0x152: {  	v5 =	vadd.f32 v6, v5;
	_ =	sdelay $0x1  }
0x153: {  	v5 =	vmul.f32 v5, v3;
	_ =	sdelay $0x1  }
0x154: {  	v4 =	vadd.f32 v5, v4  }
0x155: {  	v6 =	vld [tilespmem:s14+$0x6150]  }
0x156: {  	v5 =	vld [tilespmem:s14+$0x4150];
	v4 =	vmax.f32 v4, $0.0e+00  }
0x157: {  	v4 =	vmul.f32 v4, v3;
	_ =	sdelay $0x1  }
0x158: {  	[tilespmem:s14+$0x6140] =	vst v4  }
0x159: {  	v4 =	vld [tilespmem:$0x8150]  }
0x15a: {  	v5 =	vadd.f32 v6, v5;
	_ =	sdelay $0x1  }
0x15b: {  	v5 =	vmul.f32 v5, v3;
	_ =	sdelay $0x1  }
0x15c: {  	s16 =	simm.s32 $0x80;
	v5 =	vadd.f32 v5, v4  }
0x15d: {  	s15 =	simm.s32 $0x400;
	v4 =	vld [tilespmem:s16+$0x4100]  }
.LBB2_15:
0x15e: {  	p2 =	sne.s32 s15, $0x7E00;
	v6 =	vld [tilespmem:s16+$0x6100];
	v5 =	vmax.f32 v5, $0.0e+00  }
0x15f: {  	v5 =	vmul.f32 v5, v3  }
0x160: {  	v3 =	vld [tilespmem:s16+$0x6160]  }
0x161: {  	[tilespmem:s14+$0x6150] =	vst v5;
	s14 =	smov.u32 s16  }
0x162: {  	v5 =	vld [tilespmem:$0x8100]  }
0x163: {  	v4 =	vadd.f32 v6, v4;
	_ =	sdelay $0x1  }
0x164: {  	v4 =	vmul.f32 v4, v3;
	_ =	sdelay $0x1  }
0x165: {  	v4 =	vadd.f32 v4, v5  }
0x166: {  	v5 =	vld [tilespmem:s14+$0x4110]  }
0x167: {  	v4 =	vmax.f32 v4, $0.0e+00;
	v6 =	vld [tilespmem:s14+$0x6110]  }
0x168: {  	v4 =	vmul.f32 v4, v3;
	_ =	sdelay $0x1  }
0x169: {  	[tilespmem:s14+$0x6100] =	vst v4  }
0x16a: {  	v4 =	vld [tilespmem:$0x8110]  }
0x16b: {  	v5 =	vadd.f32 v6, v5;
	_ =	sdelay $0x1  }
0x16c: {  	v5 =	vmul.f32 v5, v3;
	_ =	sdelay $0x1  }
0x16d: {  	v4 =	vadd.f32 v5, v4  }
0x16e: {  	v5 =	vld [tilespmem:s14+$0x4120]  }
0x16f: {  	v4 =	vmax.f32 v4, $0.0e+00;
	v6 =	vld [tilespmem:s14+$0x6120]  }
0x170: {  	v4 =	vmul.f32 v4, v3;
	_ =	sdelay $0x1  }
0x171: {  	[tilespmem:s14+$0x6110] =	vst v4  }
0x172: {  	v4 =	vld [tilespmem:$0x8120]  }
0x173: {  	v5 =	vadd.f32 v6, v5;
	_ =	sdelay $0x1  }
0x174: {  	v5 =	vmul.f32 v5, v3;
	_ =	sdelay $0x1  }
0x175: {  	v4 =	vadd.f32 v5, v4  }
0x176: {  	v5 =	vld [tilespmem:s14+$0x4130]  }
0x177: {  	v4 =	vmax.f32 v4, $0.0e+00;
	v6 =	vld [tilespmem:s14+$0x6130]  }
0x178: {  	v4 =	vmul.f32 v4, v3;
	_ =	sdelay $0x1  }
0x179: {  	[tilespmem:s14+$0x6120] =	vst v4  }
0x17a: {  	v4 =	vld [tilespmem:$0x8130]  }
0x17b: {  	v5 =	vadd.f32 v6, v5;
	_ =	sdelay $0x1  }
0x17c: {  	v5 =	vmul.f32 v5, v3;
	_ =	sdelay $0x1  }
0x17d: {  	v4 =	vadd.f32 v5, v4  }
0x17e: {  	v5 =	vld [tilespmem:s14+$0x4140]  }
0x17f: {  	v4 =	vmax.f32 v4, $0.0e+00;
	v6 =	vld [tilespmem:s14+$0x6140]  }
0x180: {  	v4 =	vmul.f32 v4, v3;
	_ =	sdelay $0x1  }
0x181: {  	[tilespmem:s14+$0x6130] =	vst v4  }
0x182: {  	v4 =	vld [tilespmem:$0x8140]  }
0x183: {  	v5 =	vadd.f32 v6, v5;
	_ =	sdelay $0x1  }
0x184: {  	v5 =	vmul.f32 v5, v3;
	_ =	sdelay $0x1  }
0x185: {  	v4 =	vadd.f32 v5, v4  }
0x186: {  	v5 =	vld [tilespmem:s14+$0x4150]  }
0x187: {  	v4 =	vmax.f32 v4, $0.0e+00;
	v6 =	vld [tilespmem:s14+$0x6150]  }
0x188: {  	v4 =	vmul.f32 v4, v3;
	_ =	sdelay $0x1  }
0x189: {  	[tilespmem:s14+$0x6140] =	vst v4  }
0x18a: {  	v4 =	vld [tilespmem:$0x8150]  }
0x18b: {  	v5 =	vadd.f32 v6, v5  }
.Ltmp10:
0x18c: {  	(pc) =	sbr.rel @p2 .LBB2_15-.Ltmp10, $3  }
0x18d: {  	v5 =	vmul.f32 v5, v3;
	_ =	sdelay $0x1  }
0x18e: {  	s16 =	sshra.s32 s15, $0x2;
	v5 =	vadd.f32 v5, v4  }
0x18f: {  	s15 =	sadd.s32 $0x200, s15;
	v4 =	vld [tilespmem:s16+$0x4100]  }
0x190: {  	v6 =	vld [tilespmem:s16+$0x6100];
	v5 =	vmax.f32 v5, $0.0e+00  }
0x191: {  	v3 =	vmul.f32 v5, v3  }
0x192: {  	v53 =	vld [tilespmem:s16+$0x6160]  }
0x193: {  	[tilespmem:s14+$0x6150] =	vst v3  }
0x194: {  	v3 =	vld [tilespmem:$0x8100]  }
0x195: {  	v4 =	vadd.f32 v6, v4;
	_ =	sdelay $0x1  }
0x196: {  	v4 =	vmul.f32 v4, v53;
	_ =	sdelay $0x1  }
0x197: {  	v3 =	vadd.f32 v4, v3  }
0x198: {  	v54 =	vld [tilespmem:s16+$0x4110]  }
0x199: {  	v55 =	vld [tilespmem:s16+$0x6110];
	v3 =	vmax.f32 v3, $0.0e+00  }
0x19a: {  	v3 =	vmul.f32 v3, v53;
	_ =	sdelay $0x1  }
0x19b: {  	[tilespmem:s16+$0x6100] =	vst v3  }
0x19c: {  	v3 =	vld [tilespmem:$0x8110]  }
0x19d: {  	v4 =	vadd.f32 v55, v54;
	_ =	sdelay $0x1  }
0x19e: {  	v4 =	vmul.f32 v4, v53;
	_ =	sdelay $0x1  }
0x19f: {  	v3 =	vadd.f32 v4, v3  }
0x1a0: {  	v56 =	vld [tilespmem:s16+$0x4120]  }
0x1a1: {  	v57 =	vld [tilespmem:s16+$0x6120];
	v3 =	vmax.f32 v3, $0.0e+00  }
0x1a2: {  	v3 =	vmul.f32 v3, v53;
	_ =	sdelay $0x1  }
0x1a3: {  	[tilespmem:s16+$0x6110] =	vst v3  }
0x1a4: {  	v3 =	vld [tilespmem:$0x8120]  }
0x1a5: {  	v4 =	vadd.f32 v57, v56;
	_ =	sdelay $0x1  }
0x1a6: {  	v4 =	vmul.f32 v4, v53;
	_ =	sdelay $0x1  }
0x1a7: {  	v3 =	vadd.f32 v4, v3  }
0x1a8: {  	v58 =	vld [tilespmem:s16+$0x4130]  }
0x1a9: {  	v59 =	vld [tilespmem:s16+$0x6130];
	v3 =	vmax.f32 v3, $0.0e+00  }
0x1aa: {  	v3 =	vmul.f32 v3, v53;
	_ =	sdelay $0x1  }
0x1ab: {  	[tilespmem:s16+$0x6120] =	vst v3  }
0x1ac: {  	v3 =	vld [tilespmem:$0x8130]  }
0x1ad: {  	v4 =	vadd.f32 v59, v58;
	_ =	sdelay $0x1  }
0x1ae: {  	v4 =	vmul.f32 v4, v53;
	_ =	sdelay $0x1  }
0x1af: {  	v3 =	vadd.f32 v4, v3  }
0x1b0: {  	v60 =	vld [tilespmem:s16+$0x4140]  }
0x1b1: {  	v61 =	vld [tilespmem:s16+$0x6140];
	v3 =	vmax.f32 v3, $0.0e+00  }
0x1b2: {  	v3 =	vmul.f32 v3, v53;
	_ =	sdelay $0x1  }
0x1b3: {  	[tilespmem:s16+$0x6130] =	vst v3  }
0x1b4: {  	v3 =	vld [tilespmem:$0x8140]  }
0x1b5: {  	v4 =	vadd.f32 v61, v60;
	_ =	sdelay $0x1  }
0x1b6: {  	v4 =	vmul.f32 v4, v53;
	_ =	sdelay $0x1  }
0x1b7: {  	v3 =	vadd.f32 v4, v3  }
0x1b8: {  	v62 =	vld [tilespmem:s16+$0x4150]  }
0x1b9: {  	v63 =	vld [tilespmem:s16+$0x6150];
	v3 =	vmax.f32 v3, $0.0e+00  }
0x1ba: {  	v3 =	vmul.f32 v3, v53;
	_ =	sdelay $0x1  }
0x1bb: {  	[tilespmem:s16+$0x6140] =	vst v3  }
0x1bc: {  	v3 =	vld [tilespmem:$0x8150]  }
0x1bd: {  	v4 =	vadd.f32 v63, v62;
	_ =	sdelay $0x1  }
0x1be: {  	v4 =	vmul.f32 v4, v53;
	_ =	sdelay $0x1  }
0x1bf: {  	v3 =	vadd.f32 v4, v3;
	_ =	sdelay $0x1  }
0x1c0: {  	v3 =	vmax.f32 v3, $0.0e+00  }
0x1c1: {  	v3 =	vmul.f32 v3, v53;
	_ =	sdelay $0x1  }
0x1c2: {  	[tilespmem:s16+$0x6150] =	vst v3  }
0x1c3: {  	[hbm4b:s13+s2] =	stream.linear.scatter [tilespmem:s31], [sflag:$0x2], $0x2000, $0x38;
	[tilespmem:$0x1E180] =	vst v63  }
0x1c4: {  	s26 =	sadd.s32 $0x1, s26;
	_ =	swait.ge [sflag:s25], $0x2000  }
0x1c5: {  	p2 =	sne.s32 s26, $0xA;
	[sflag:s25] =	ssyncset.done $0x0  }
.Ltmp11:
0x1c6: {  	[sflag:s25] =	ssyncadd.s32 $0xFFFFE000;
	(pc) =	sbr.rel @p2 .LBB2_14-.Ltmp11, $4  }
0x1c7: {  	[spmem:s12] =	stream.linear.scatter [tilespmem:s24], [sflag:$0x2], $0x2000, $0x38;
	[tilespmem:$0x1E180] =	vst v63  }
0x1c8: {  	_ =	swait.ge [sflag:s25], $0x2000  }
0x1c9: {  	[sflag:s25] =	ssyncset.done $0x0  }
0x1ca: {  	[sflag:s25] =	ssyncadd.s32 $0xFFFFE000  }
0x1cb: {  	[bflag:$0x0] =	sbarrier.arrive $0xFFFF  }
0x1cc: {  	[tilespmem:s2], [sflag:$0x2] =	stream.linear.gather [hbm4b:s22+s2], $0x80, $0x38;
	[tilespmem:$0x1E180] =	vst v63  }
0x1cd: {  	_ =	swait.ge [sflag:s25], $0x80  }
0x1ce: {  	[sflag:s25] =	ssyncset.done $0x0  }
0x1cf: {  	[sflag:s25] =	ssyncadd.s32 $0xFFFFFF80  }
0x1d0: {  	[tilespmem:s28], [sflag:$0x2] =	stream.linear.gather [hbm4b:s21+s2], $0x80, $0x38;
	[tilespmem:$0x1E180] =	vst v63  }
0x1d1: {  	_ =	swait.ge [sflag:s25], $0x80  }
0x1d2: {  	[sflag:s25] =	ssyncset.done $0x0  }
0x1d3: {  	[sflag:s25] =	ssyncadd.s32 $0xFFFFFF80  }
0x1d4: {  	v3 =	vld [tilespmem:$0x70]  }
0x1d5: {  	v4 =	vld [tilespmem:$0x60]  }
0x1d6: {  	v5 =	vld [tilespmem:$0x50]  }
0x1d7: {  	v6 =	vld [tilespmem:$0x30]  }
0x1d8: {  	v7 =	vld [tilespmem:$0x20]  }
0x1d9: {  	v8 =	vld [tilespmem:$0x10];
	v3 =	vadd.s32 v0, v3  }
0x1da: {  	v9 =	vld [tilespmem:$0x40];
	v4 =	vadd.s32 v0, v4;
	[tilespmem:$0x70] =	vst v3  }
0x1db: {  	v5 =	vadd.s32 v0, v5;
	v3 =	vld [tilespmem:$0x0];
	[tilespmem:$0x60] =	vst v4  }
0x1dc: {  	v60 =	vadd.s32 v0, v6;
	[tilespmem:$0x50] =	vst v5  }
.Ltmp12:
0x1dd: {  	v61 =	vadd.s32 v0, v7;
	[tilespmem:$0x30] =	vst v60;
	(pc) =	sbr.rel @!p1 .LBB2_19-.Ltmp12, $4  }
0x1de: {  	v62 =	vadd.s32 v0, v8;
	[tilespmem:$0x20] =	vst v61  }
0x1df: {  	v63 =	vadd.s32 v0, v9;
	[tilespmem:$0x10] =	vst v62  }
0x1e0: {  	[tilespmem:$0x40] =	vst v63;
	v3 =	vadd.s32 v0, v3  }
0x1e1: {  	s5 =	sadd.s32 $0xFFFFFFFF, s9;
	s12 =	sadd.s32 $0x10, s21;
	s13 =	sadd.s32 $0x10, s22;
	[tilespmem:$0x0] =	vst v3  }
.LBB2_18:
0x1e2: {  	[tilespmem:s29], [sflag:$0x1] =	stream.indirect.gather [hbm4b:s8+s28], $0x80, s2, s28, $0xb8;
	[tilespmem:$0x1E180] =	vst v63  }
0x1e3: {  	p1 =	sne.s32 s5, $0x1;
	s5 =	sadd.s32 $0xFFFFFFFF, s5;
	_ =	swait.ge [sflag:s0], $0x4000  }
0x1e4: {  	[sflag:s0] =	ssyncset.done $0x0  }
0x1e5: {  	[sflag:s0] =	ssyncadd.s32 $0xFFFFC000  }
0x1e6: {  	[spmem:s1] =	stream.indirect.scatter.add.f32 [tilespmem:s29], [sflag:$0x2], $0x80, s28, s28, $0xb8;
	[tilespmem:$0x1E180] =	vst v63  }
0x1e7: {  	_ =	swait.ge [sflag:s25], $0x4000  }
0x1e8: {  	[sflag:s25] =	ssyncset.done $0x0  }
0x1e9: {  	[sflag:s25] =	ssyncadd.s32 $0xFFFFC000  }
0x1ea: {  	[tilespmem:s2], [sflag:$0x2] =	stream.linear.gather [hbm4b:s13+s2], $0x80, $0x38;
	[tilespmem:$0x1E180] =	vst v63  }
0x1eb: {  	_ =	swait.ge [sflag:s25], $0x80  }
0x1ec: {  	[sflag:s25] =	ssyncset.done $0x0  }
0x1ed: {  	[sflag:s25] =	ssyncadd.s32 $0xFFFFFF80  }
0x1ee: {  	[tilespmem:s28], [sflag:$0x2] =	stream.linear.gather [hbm4b:s12+s2], $0x80, $0x38;
	[tilespmem:$0x1E180] =	vst v63  }
0x1ef: {  	_ =	swait.ge [sflag:s25], $0x80  }
0x1f0: {  	[sflag:s25] =	ssyncset.done $0x0  }
0x1f1: {  	[sflag:s25] =	ssyncadd.s32 $0xFFFFFF80  }
0x1f2: {  	v3 =	vld [tilespmem:$0x70]  }
0x1f3: {  	v4 =	vld [tilespmem:$0x60]  }
0x1f4: {  	v5 =	vld [tilespmem:$0x50]  }
0x1f5: {  	v6 =	vld [tilespmem:$0x30]  }
0x1f6: {  	v7 =	vld [tilespmem:$0x20]  }
0x1f7: {  	v8 =	vld [tilespmem:$0x10];
	v3 =	vadd.s32 v0, v3  }
0x1f8: {  	v9 =	vld [tilespmem:$0x40];
	v4 =	vadd.s32 v0, v4;
	[tilespmem:$0x70] =	vst v3  }
0x1f9: {  	v3 =	vld [tilespmem:$0x0];
	v5 =	vadd.s32 v0, v5;
	[tilespmem:$0x60] =	vst v4  }
0x1fa: {  	v4 =	vadd.s32 v0, v6;
	[tilespmem:$0x50] =	vst v5  }
.Ltmp13:
0x1fb: {  	v5 =	vadd.s32 v0, v7;
	[tilespmem:$0x30] =	vst v4;
	(pc) =	sbr.rel @p1 .LBB2_18-.Ltmp13, $4  }
0x1fc: {  	v4 =	vadd.s32 v0, v8;
	[tilespmem:$0x20] =	vst v5  }
0x1fd: {  	[tilespmem:$0x10] =	vst v4;
	v4 =	vadd.s32 v0, v9  }
0x1fe: {  	v3 =	vadd.s32 v0, v3;
	[tilespmem:$0x40] =	vst v4  }
0x1ff: {  	s13 =	sadd.s32 $0x10, s13;
	s12 =	sadd.s32 $0x10, s12;
	[tilespmem:$0x0] =	vst v3  }
.LBB2_19:
0x200: {  	[tilespmem:s29], [sflag:$0x1] =	stream.indirect.gather [hbm4b:s8+s28], $0x80, s2, s28, $0xb8;
	[tilespmem:$0x1E180] =	vst v63  }
0x201: {  	_ =	swait.ge [sflag:s0], $0x4000  }
0x202: {  	[sflag:s0] =	ssyncset.done $0x0  }
0x203: {  	[sflag:s0] =	ssyncadd.s32 $0xFFFFC000  }
0x204: {  	[spmem:s1] =	stream.indirect.scatter.add.f32 [tilespmem:s29], [sflag:$0x2], $0x80, s28, s28, $0xb8;
	[tilespmem:$0x1E180] =	vst v63  }
.Ltmp14:
0x205: {  	_ =	swait.ge [sflag:s25], $0x4000;
	(pc) =	sbr.rel @p0 .LBB2_23-.Ltmp14, $4  }
0x206: {  	[sflag:s25] =	ssyncset.done $0x0  }
0x207: {  	[sflag:s25] =	ssyncadd.s32 $0xFFFFC000  }
0x208: {  	[bflag:$0x0] =	sbarrier.arrive $0xFFFF  }
0x209: {  	s5 =	simm.s32 $0x0;
	s12 =	simm.s32 $0x0  }
.LBB2_20:
0x20a: {  	s13 =	sshll.u32 s12, $0x6  }
0x20b: {  	s13 =	sadd.s32 s6, s13  }
0x20c: {  	s14 =	sshll.u32 s13, $0x7  }
0x20d: {  	s14 =	sand.u32 $0x3FFFFF80, s14  }
0x20e: {  	s14 =	sadd.s32 s14, s1  }
0x20f: {  	[tilespmem:s30], [sflag:$0x2] =	stream.linear.gather [spmem:s14], $0x2000, $0x38;
	[tilespmem:$0x1E180] =	vst v63  }
0x210: {  	_ =	swait.ge [sflag:s25], $0x2000  }
0x211: {  	s13 =	sshll.u32 s13, $0x4;
	[sflag:s25] =	ssyncset.done $0x0  }
0x212: {  	s26 =	sadd.s32 s8, s13;
	[sflag:s25] =	ssyncadd.s32 $0xFFFFE000  }
0x213: {  	[tilespmem:s31], [sflag:$0x2] =	stream.linear.gather [hbm4b:s26+s5], $0x2000, $0x38;
	[tilespmem:$0x1E180] =	vst v63  }
0x214: {  	_ =	swait.ge [sflag:s25], $0x2000  }
0x215: {  	[sflag:s25] =	ssyncset.done $0x0  }
0x216: {  	s14 =	simm.s32 $0x0;
	[sflag:s25] =	ssyncadd.s32 $0xFFFFE000  }
0x217: {  	v3 =	vld [tilespmem:s14+$0x6160]  }
0x218: {  	v9 =	vld [tilespmem:s14+$0x6100]  }
0x219: {  	v8 =	vld [tilespmem:s14+$0x6110]  }
0x21a: {  	v6 =	vld [tilespmem:s14+$0x6120]  }
0x21b: {  	v7 =	vld [tilespmem:s14+$0x6130]  }
0x21c: {  	v5 =	vld [tilespmem:s14+$0x6140]  }
0x21d: {  	v4 =	vld [tilespmem:s14+$0x6150]  }
0x21e: {  	v14 =	vld [tilespmem:s14+$0x4100]  }
0x21f: {  	v13 =	vld [tilespmem:s14+$0x4110]  }
0x220: {  	v12 =	vld [tilespmem:s14+$0x4120]  }
0x221: {  	v11 =	vld [tilespmem:s14+$0x4130]  }
0x222: {  	s15 =	simm.s32 $0x200;
	v10 =	vld [tilespmem:s14+$0x4140]  }
.LBB2_21:
0x223: {  	s16 =	sshra.s32 s15, $0x2;
	p1 =	sne.s32 s15, $0x7E00;
	v14 =	vadd.f32 v9, v14;
	v15 =	vld [tilespmem:s14+$0x4150]  }
0x224: {  	v16 =	vld [tilespmem:s16+$0x6160];
	v13 =	vadd.f32 v8, v13  }
0x225: {  	v9 =	vld [tilespmem:s16+$0x6100];
	v14 =	vmul.f32 v14, v3;
	v12 =	vadd.f32 v6, v12  }
0x226: {  	v8 =	vld [tilespmem:s16+$0x6110];
	v13 =	vmul.f32 v13, v3;
	v11 =	vadd.f32 v7, v11  }
0x227: {  	v6 =	vld [tilespmem:s16+$0x6120];
	[tilespmem:s14+$0x4100] =	vst v14;
	v12 =	vmul.f32 v12, v3;
	v10 =	vadd.f32 v5, v10  }
0x228: {  	v7 =	vld [tilespmem:s16+$0x6130];
	[tilespmem:s14+$0x4110] =	vst v13;
	v11 =	vmul.f32 v11, v3;
	v13 =	vadd.f32 v4, v15  }
0x229: {  	v5 =	vld [tilespmem:s16+$0x6140];
	[tilespmem:s14+$0x4120] =	vst v12;
	v10 =	vmul.f32 v10, v3  }
0x22a: {  	v4 =	vld [tilespmem:s16+$0x6150];
	[tilespmem:s14+$0x4130] =	vst v11;
	v11 =	vmul.f32 v13, v3;
	v3 =	vmov v16  }
.Ltmp15:
0x22b: {  	v14 =	vld [tilespmem:s16+$0x4100];
	[tilespmem:s14+$0x4140] =	vst v10;
	(pc) =	sbr.rel @p1 .LBB2_21-.Ltmp15, $4  }
0x22c: {  	v13 =	vld [tilespmem:s16+$0x4110];
	[tilespmem:s14+$0x4150] =	vst v11;
	s14 =	smov.u32 s16  }
0x22d: {  	v12 =	vld [tilespmem:s14+$0x4120]  }
0x22e: {  	v11 =	vld [tilespmem:s14+$0x4130]  }
0x22f: {  	s15 =	sadd.s32 $0x200, s15;
	v10 =	vld [tilespmem:s14+$0x4140]  }
0x230: {  	v9 =	vadd.f32 v9, v14;
	v63 =	vld [tilespmem:s14+$0x4150]  }
0x231: {  	v8 =	vadd.f32 v8, v13  }
0x232: {  	v9 =	vmul.f32 v9, v3;
	v6 =	vadd.f32 v6, v12  }
0x233: {  	v8 =	vmul.f32 v8, v3;
	v7 =	vadd.f32 v7, v11  }
0x234: {  	[tilespmem:s14+$0x4100] =	vst v9;
	v6 =	vmul.f32 v6, v3;
	v5 =	vadd.f32 v5, v10  }
0x235: {  	[tilespmem:s14+$0x4110] =	vst v8;
	v7 =	vmul.f32 v7, v3;
	v4 =	vadd.f32 v4, v63  }
0x236: {  	[tilespmem:s14+$0x4120] =	vst v6;
	v5 =	vmul.f32 v5, v3  }
0x237: {  	[tilespmem:s14+$0x4130] =	vst v7;
	v3 =	vmul.f32 v4, v3  }
0x238: {  	s12 =	sadd.s32 $0x1, s12;
	[tilespmem:s14+$0x4140] =	vst v5  }
0x239: {  	s13 =	sadd.s32 s7, s13;
	p1 =	sne.s32 s12, $0xA;
	[tilespmem:s14+$0x4150] =	vst v3  }
0x23a: {  	[hbm4b:s13+s2] =	stream.linear.scatter [tilespmem:s30], [sflag:$0x2], $0x2000, $0x38;
	[tilespmem:$0x1E180] =	vst v63  }
.Ltmp16:
0x23b: {  	_ = 	snop;
	(pc) =	sbr.rel @p1 .LBB2_20-.Ltmp16, $4  }
.Ltmp17:
0x23c: {  	_ = 	snop;
	(pc) =	sbr.rel @!p1 .LBB2_23-.Ltmp17, $4  }
0x23d: {  	_ =	swait.ge [sflag:s25], $0x2000  }
0x23e: {  	[sflag:s25] =	ssyncset.done $0x0  }
0x23f: {  	[sflag:s25] =	ssyncadd.s32 $0xFFFFE000  }
0x240: {  	_ = 	snop  }
.LBB2_24:
0x241: {  	_ =	sfence.sel $0x180000  }
0x242: {  	[bflag:$0x0] =	sbarrier.arrive $0xFFFF  }
0x243: {  	_ =	strace $0x90000047  }
0x244: {  	s0 =	stileid.u32;
	[bflag:$0x2] =	sbarrier.arrive $0xFFFF  }
0x245: {  	p0 =	sne.s32 s0, $0x0;
	s0 =	rddreg [dreg:$0x4]  }
0x246: {  	s0 =	sadd.s32 @!p0 $0x100000, s0  }
0x247: {  	[sflag:s0] =	ssyncadd.tile.s32 @!p0 $0x1;
	_ =	shalt  }
.Lfunc_end2:
_tile_overlayer_lowered:
.L_overlay_start_2:
0x248: {  	(tag) =	ssettag $0x2  }
0x249: {  	s0 =	rddreg [dreg:$0x0];
	s2 =	stileid.u32  }
0x24a: {  	s1 =	rddreg [dreg:$0x1];
	p0 =	sne.s32 s2, $0x0  }
0x24b: {  	s3 =	rddreg [dreg:$0x2];
	[bflag:$0x3] =	sbarrier.arrive $0xFFFF;
	s2 =	simm.s32 @!p0 $0x1C02  }
0x24c: {  	[timem:s3], [sflag:s2] =	dma.local @!p0 [hbm:s0], s1  }
0x24d: {  	s0 =	simm.s32 @!p0 $0x2  }
0x24e: {  	_ =	swait.ge @!p0 [sflag:s0], s1  }
0x24f: {  	s1 =	ssub.s32 @!p0 $0x0, s1;
	[sflag:s0] =	ssyncset.done @!p0 $0x0  }
0x250: {  	[sflag:s0] =	ssyncadd.s32 @!p0 s1  }
0x251: {  	[bflag:$0x3] =	sbarrier.arrive $0xFFFF  }
0x252: {  	_ =	shalt  }

</sc_bundles>
